<compile_context>
chip_gen: v7x
topology: tpu7x:2x2x1
jax: 0.10.2.dev20260603
libtpu: 0.0.44.dev20260713+nightly
codegen_flags: <defaults>
</compile_context>

<pallas_src>
import functools

import jax
import jax.numpy as jnp
from jax import lax
from jax.experimental import pallas as pl
from jax.experimental.pallas import tpu as pltpu
from jax.experimental.pallas import tpu_sc as plsc

N_NODES = 100000
N_EDGES = 6400000
NPAD = 100352
ROWS_W = NPAD // 32
ROWS_T = NPAD // 16
CHUNKS = 400
CB = 512
CROWS = CB // 128
EPAD = 32 * CHUNKS * CB
A1, A2, A3 = 5e-06, 0.0005, 1e-08

_mesh = plsc.VectorSubcoreMesh(core_axis_name="c", subcore_axis_name="s")
_sc_params = pltpu.CompilerParams(needs_layout_passes=False,
                                  use_tc_tiling_on_sc=False)


@functools.partial(
    pl.kernel,
    out_type=jax.ShapeDtypeStruct((NPAD, 8), jnp.float32),
    mesh=_mesh,
    scratch_types=[
        pltpu.VMEM((ROWS_W, 2), jnp.float32),
        pltpu.VMEM((ROWS_W, 2), jnp.float32),
        pltpu.VMEM((ROWS_W,), jnp.int32),
        pltpu.VMEM((5, 3), jnp.float32),
        pltpu.VMEM((ROWS_W, 8), jnp.float32),
    ],
    compiler_params=_sc_params,
)
def _pack_kernel(pos_h, vel_h, typ_h, ptab_h, out_h, posb, velb, typb, ptab,
                 packb):
    cid = lax.axis_index("c")
    sid = lax.axis_index("s")
    w = sid * 2 + cid
    base = w * ROWS_W
    pltpu.sync_copy(pos_h.at[pl.ds(base, ROWS_W)], posb)
    pltpu.sync_copy(vel_h.at[pl.ds(base, ROWS_W)], velb)
    pltpu.sync_copy(typ_h.at[pl.ds(base, ROWS_W)], typb)
    pltpu.sync_copy(ptab_h, ptab)
    iota = lax.iota(jnp.int32, 16)
    c0 = jnp.zeros((16,), jnp.int32)
    c1 = c0 + 1
    c2 = c0 + 2
    zf = jnp.zeros((16,), jnp.float32)

    def body(g, carry):
        rows = g * 16 + iota
        px = plsc.load_gather(posb, [rows, c0])
        py = plsc.load_gather(posb, [rows, c1])
        vx = plsc.load_gather(velb, [rows, c0])
        vy = plsc.load_gather(velb, [rows, c1])
        t = plsc.load_gather(typb, [rows])
        q0 = plsc.load_gather(ptab, [t, c0])
        q1 = plsc.load_gather(ptab, [t, c1])
        q2 = plsc.load_gather(ptab, [t, c2])
        plsc.store_scatter(packb, [rows, c0], px)
        plsc.store_scatter(packb, [rows, c1], py)
        plsc.store_scatter(packb, [rows, c2], vx)
        plsc.store_scatter(packb, [rows, c0 + 3], vy)
        plsc.store_scatter(packb, [rows, c0 + 4], q0)
        plsc.store_scatter(packb, [rows, c0 + 5], q1)
        plsc.store_scatter(packb, [rows, c0 + 6], q2)
        plsc.store_scatter(packb, [rows, c0 + 7], zf)
        return carry

    lax.fori_loop(0, ROWS_W // 16, body, 0)
    pltpu.sync_copy(packb, out_h.at[pl.ds(base, ROWS_W)])


@functools.partial(
    pl.kernel,
    out_type=jax.ShapeDtypeStruct((2, NPAD, 8), jnp.float32),
    mesh=_mesh,
    scratch_types=[
        [pltpu.VMEM((CB,), jnp.int32)] * 4,
        [pltpu.VMEM((CB,), jnp.int32)] * 4,
        [pltpu.VMEM((CB, 8), jnp.float32)] * 2,
        [pltpu.VMEM((CB, 8), jnp.float32)] * 2,
        pltpu.VMEM((CB, 8), jnp.float32),
        pltpu.VMEM_SHARED((NPAD, 8), jnp.float32),
        pltpu.VMEM_SHARED((NPAD, 8), jnp.float32),
        [pltpu.SemaphoreType.DMA] * 4,
        [pltpu.SemaphoreType.DMA] * 2,
    ],
    compiler_params=_sc_params,
)
def _edge_kernel(dst_h, src_h, zeros_h, packed_h, out_h,
                 didx4, sidx4, nd2, ns2, msg, acc, ptb, semi4, semg2):
    cid = lax.axis_index("c")
    sid = lax.axis_index("s")
    w = sid * 2 + cid
    pltpu.sync_copy(zeros_h.at[pl.ds(sid * ROWS_T, ROWS_T)],
                    acc.at[pl.ds(sid * ROWS_T, ROWS_T)])
    pltpu.sync_copy(packed_h.at[pl.ds(sid * ROWS_T, ROWS_T)],
                    ptb.at[pl.ds(sid * ROWS_T, ROWS_T)])
    plsc.subcore_barrier()
    iota = lax.iota(jnp.int32, 16)
    c0 = jnp.zeros((16,), jnp.int32)
    c1 = c0 + 1
    zf = jnp.zeros((16,), jnp.float32)

    def zero_body(g, carry):
        rows = g * 16 + iota
        for cc in range(2, 8):
            plsc.store_scatter(msg, [rows, c0 + cc], zf)
        return carry

    lax.fori_loop(0, CB // 16, zero_body, 0)

    def fire_idx(c, q):
        pltpu.async_copy(dst_h.at[w, c], didx4[q], semi4[q])
        pltpu.async_copy(src_h.at[w, c], sidx4[q], semi4[q])

    def wait_idx(q):
        pltpu.make_async_copy(dst_h.at[w, 0], didx4[q], semi4[q]).wait()
        pltpu.make_async_copy(src_h.at[w, 0], sidx4[q], semi4[q]).wait()

    def fire_gather(p, q):
        pltpu.async_copy(ptb.at[didx4[q]], nd2[p], semg2[p])
        pltpu.async_copy(ptb.at[sidx4[q]], ns2[p], semg2[p])

    def wait_gather(p, q):
        pltpu.make_async_copy(ptb.at[didx4[q]], nd2[p], semg2[p]).wait()
        pltpu.make_async_copy(ptb.at[sidx4[q]], ns2[p], semg2[p]).wait()

    def compute(p, q):
        didx, sidx, nd, ns = didx4[q], sidx4[q], nd2[p], ns2[p]

        def row_body(g, rcarry):
            rows = g * 16 + iota
            did = plsc.load_gather(didx, [rows])
            sidv = plsc.load_gather(sidx, [rows])
            pdx = plsc.load_gather(nd, [rows, c0])
            pdy = plsc.load_gather(nd, [rows, c1])
            vdx = plsc.load_gather(nd, [rows, c0 + 2])
            vdy = plsc.load_gather(nd, [rows, c0 + 3])
            q0 = plsc.load_gather(nd, [rows, c0 + 4])
            q1 = plsc.load_gather(nd, [rows, c0 + 5])
            q2 = plsc.load_gather(nd, [rows, c0 + 6])
            psx = plsc.load_gather(ns, [rows, c0])
            psy = plsc.load_gather(ns, [rows, c1])
            vsx = plsc.load_gather(ns, [rows, c0 + 2])
            vsy = plsc.load_gather(ns, [rows, c0 + 3])
            dpx = psx - pdx
            dpy = psy - pdy
            d2 = dpx * dpx + dpy * dpy
            live = did != sidv
            d2s = jnp.where(live, d2, jnp.float32(1.0))
            t = q2 / d2s
            mf = jnp.where(live, jnp.float32(1.0), jnp.float32(0.0))
            cm = (q0 - t) * mf
            am = q1 * mf
            mx = cm * dpx + am * (vsx - vdx)
            my = cm * dpy + am * (vsy - vdy)
            plsc.store_scatter(msg, [rows, c0], mx)
            plsc.store_scatter(msg, [rows, c1], my)
            return rcarry

        lax.fori_loop(0, CB // 16, row_body, 0)

    def scatter(q):
        pltpu.sync_copy(msg, acc.at[didx4[q]], add=True)

    for q in range(4):
        fire_idx(q, q)
    for k in range(2):
        wait_idx(k)
        fire_gather(k, k)

    def pair_body(i, carry):
        base = 4 * i
        for k in range(4):
            c = base + k
            p = k % 2
            wait_gather(p, k)
            compute(p, k)
            scatter(k)

            @pl.when(c + 4 < CHUNKS)
            def _():
                fire_idx(c + 4, k)

            @pl.when(c + 2 < CHUNKS)
            def _():
                wait_idx((k + 2) % 4)
                fire_gather(p, (k + 2) % 4)
        return carry

    lax.fori_loop(0, CHUNKS // 4, pair_body, 0)
    plsc.subcore_barrier()
    pltpu.sync_copy(acc.at[pl.ds(sid * ROWS_T, ROWS_T)],
                    out_h.at[cid, pl.ds(sid * ROWS_T, ROWS_T)])


def _combine_body(a_ref, b_ref, o_ref):
    o_ref[...] = a_ref[...] + b_ref[...]


def kernel(pos, vel, p_table, particle_type, edge_index):
    f32 = jnp.float32
    pos_p = jnp.pad(pos.astype(f32), ((0, NPAD - N_NODES), (0, 0)))
    vel_p = jnp.pad(vel.astype(f32), ((0, NPAD - N_NODES), (0, 0)))
    typ_p = jnp.pad(particle_type.astype(jnp.int32), (0, NPAD - N_NODES))
    ptab = (p_table.astype(f32) * jnp.array([[A1, A2, A3]], f32))
    ei = edge_index.astype(jnp.int32)
    dst4 = jnp.pad(ei[0], (0, EPAD - N_EDGES)).reshape(32, CHUNKS, CB)
    src4 = jnp.pad(ei[1], (0, EPAD - N_EDGES)).reshape(32, CHUNKS, CB)
    zeros = jnp.zeros((NPAD, 8), f32)

    packed = _pack_kernel(pos_p, vel_p, typ_p, ptab)
    partial = _edge_kernel(dst4, src4, zeros, packed)

    a = partial[0].reshape(NPAD * 8 // 256, 256)
    b = partial[1].reshape(NPAD * 8 // 256, 256)
    out = pl.pallas_call(
        _combine_body,
        out_shape=jax.ShapeDtypeStruct(a.shape, f32),
    )(a, b)
    return out.reshape(NPAD, 8)[:N_NODES, :2]

# --- scband reference (transcript-rebuilt; emitter-appended) ---
"""Pipeline reference for scband-boids-ode-28338194219042 (READ-ONLY COPY).

The authoritative reference and input builder live on the scoring server;
editing this copy changes nothing except your own understanding.
"""

import jax, jax.numpy as jnp
import numpy as np

N_NODES = 100000
N_EDGES = 6400000
N_TYPES = 5


def setup_inputs(seed: int = 0) -> dict:
    key = jax.random.key(seed)
    k1, k2, k3, k4, k5 = jax.random.split(key, 5)
    pos = jax.random.uniform(k1, (N_NODES, 2), dtype=jnp.float32)
    vel = jax.random.normal(k2, (N_NODES, 2), dtype=jnp.float32)
    p_table = jax.random.uniform(k3, (N_TYPES, 3), dtype=jnp.float32, minval=0.5, maxval=1.5)
    particle_type = jax.random.randint(k4, (N_NODES,), 0, N_TYPES)
    edge_index = jax.random.randint(k5, (2, N_EDGES), 0, N_NODES)
    return {"pos": pos, "vel": vel, "p_table": p_table,
            "particle_type": particle_type, "edge_index": edge_index}


def reference(pos, vel, p_table, particle_type, edge_index):
    # BoidsODE.forward (aggr_type='add', bc_dpos=identity, dimension=2, has_field=False)
    a1 = 5e-06
    a2 = 0.0005
    a3 = 1e-08
    n_particles = pos.shape[0]
    dst = edge_index[0]
    src = edge_index[1]
    # remove_self_loops: mask out src == dst edges (equivalent under 'add' aggregation)
    mask = (src != dst)
    # d_pos = state.vel.clone().detach()
    d_pos = jax.lax.stop_gradient(vel)
    # parameters = self.p[particle_type, :]
    parameters = p_table[particle_type]
    pos_i = pos[dst]
    pos_j = pos[src]
    parameters_i = parameters[dst]
    d_pos_i = d_pos[dst]
    d_pos_j = d_pos[src]
    # has_field=False -> field = ones(n_particles, 1); field_j = field[src] = ones
    field_j = jnp.ones((src.shape[0], 1), dtype=pos.dtype)
    # message()
    dp = pos_j - pos_i  # bc_dpos = identity
    distance_squared = jnp.sum(dp ** 2, axis=1)
    dist2_safe = jnp.where(mask, distance_squared, jnp.ones_like(distance_squared))
    cohesion = parameters_i[:, 0, None] * a1 * dp
    alignment = parameters_i[:, 1, None] * a2 * (d_pos_j - d_pos_i)
    separation = -parameters_i[:, 2, None] * a3 * dp / dist2_safe[:, None]
    messages = (separation + alignment + cohesion) * field_j
    messages = messages * mask[:, None].astype(pos.dtype)
    # scatter_aggregate(messages, dst, n_particles, 'add')
    dd_pos = jax.ops.segment_sum(messages, dst, num_segments=n_particles)
    return dd_pos

if __name__ == "__main__":
    import jax
    _d = setup_inputs()
    print(jax.jit(kernel)(*tuple(_d.values())))

</pallas_src>

<mosaic_0001>
#map = affine_map<(d0, d1) -> (0, 0, 0)>
#map1 = affine_map<(d0, d1) -> (0, 0)>
module attributes {stable_mosaic.version = 14 : i64} {
  func.func @_edge_kernel(%arg0: i32, %arg1: i32, %arg2: memref<32x400x512xi32, #tpu.memory_space<hbm>>, %arg3: memref<32x400x512xi32, #tpu.memory_space<hbm>>, %arg4: memref<100352x8xf32, #tpu.memory_space<hbm>>, %arg5: memref<100352x8xf32, #tpu.memory_space<hbm>>, %arg6: memref<2x100352x8xf32, #tpu.memory_space<hbm>>, %arg7: memref<512xi32, #tpu.memory_space<vmem>>, %arg8: memref<512xi32, #tpu.memory_space<vmem>>, %arg9: memref<512xi32, #tpu.memory_space<vmem>>, %arg10: memref<512xi32, #tpu.memory_space<vmem>>, %arg11: memref<512xi32, #tpu.memory_space<vmem>>, %arg12: memref<512xi32, #tpu.memory_space<vmem>>, %arg13: memref<512xi32, #tpu.memory_space<vmem>>, %arg14: memref<512xi32, #tpu.memory_space<vmem>>, %arg15: memref<512x8xf32, #tpu.memory_space<vmem>>, %arg16: memref<512x8xf32, #tpu.memory_space<vmem>>, %arg17: memref<512x8xf32, #tpu.memory_space<vmem>>, %arg18: memref<512x8xf32, #tpu.memory_space<vmem>>, %arg19: memref<512x8xf32, #tpu.memory_space<vmem>>, %arg20: memref<100352x8xf32, #tpu.memory_space<vmem_shared>>, %arg21: memref<100352x8xf32, #tpu.memory_space<vmem_shared>>, %arg22: memref<!tpu.dma_semaphore, #tpu.memory_space<semaphore_mem>>, %arg23: memref<!tpu.dma_semaphore, #tpu.memory_space<semaphore_mem>>, %arg24: memref<!tpu.dma_semaphore, #tpu.memory_space<semaphore_mem>>, %arg25: memref<!tpu.dma_semaphore, #tpu.memory_space<semaphore_mem>>, %arg26: memref<!tpu.dma_semaphore, #tpu.memory_space<semaphore_mem>>, %arg27: memref<!tpu.dma_semaphore, #tpu.memory_space<semaphore_mem>>) attributes {dimension_semantics = [#tpu.dimension_semantics<core_parallel>, #tpu.dimension_semantics<subcore_parallel>], iteration_bounds = array<i64: 2, 16>, scalar_prefetch = 0 : i64, scratch_operands = 21 : i64, tpu.core_type = #tpu.core_type<sc_vector_subcore>, window_params = [{transform_indices = #map}, {transform_indices = #map}, {transform_indices = #map1}, {transform_indices = #map1}, {transform_indices = #map}]} {
    %mul3A = arith.constant 2 : i32
    %mul3A_0 = arith.muli %arg1, %mul3A : i32
    %add3A = arith.addi %mul3A_0, %arg0 : i32
    %mul3A_1 = arith.constant 6272 : i32
    %mul3A_2 = arith.muli %arg1, %mul3A_1 : i32
    %mul3A_3 = arith.constant 6272 : i32
    %mul3A_4 = arith.muli %arg1, %mul3A_3 : i32
    "tpu.region"() ({
      %run_scoped3A = tpu.sem_alloc : memref<!tpu.dma_semaphore, #tpu.memory_space<semaphore_mem>>
      %dma_start3A_125 = arith.constant 0 : i32
      %dma_start3A_126 = tpu.memref_slice %arg20[%mul3A_4, %dma_start3A_125] : memref<100352x8xf32, #tpu.memory_space<vmem_shared>> -> memref<6272x8xf32, #tpu.memory_space<vmem_shared>>
      %dma_start3A_127 = arith.constant 0 : i32
      %dma_start3A_128 = tpu.memref_slice %arg4[%mul3A_2, %dma_start3A_127] : memref<100352x8xf32, #tpu.memory_space<hbm>> -> memref<6272x8xf32, #tpu.memory_space<hbm>>
      tpu.enqueue_dma source(%dma_start3A_128 : memref<6272x8xf32, #tpu.memory_space<hbm>>) target(%dma_start3A_126 : memref<6272x8xf32, #tpu.memory_space<vmem_shared>>) target_semaphore(%run_scoped3A : memref<!tpu.dma_semaphore, #tpu.memory_space<semaphore_mem>>)
      %dma_wait3A_129 = arith.constant 0 : i32
      %dma_wait3A_130 = tpu.memref_slice %arg20[%mul3A_4, %dma_wait3A_129] : memref<100352x8xf32, #tpu.memory_space<vmem_shared>> -> memref<6272x8xf32, #tpu.memory_space<vmem_shared>>
      %dma_wait3A_131 = arith.constant 0 : i32
      %dma_wait3A_132 = tpu.memref_slice %arg4[%mul3A_2, %dma_wait3A_131] : memref<100352x8xf32, #tpu.memory_space<hbm>> -> memref<6272x8xf32, #tpu.memory_space<hbm>>
      tpu.wait_dma2 semaphore(%run_scoped3A : memref<!tpu.dma_semaphore, #tpu.memory_space<semaphore_mem>>) src(%dma_wait3A_132 : memref<6272x8xf32, #tpu.memory_space<hbm>>) dst(%dma_wait3A_130 : memref<6272x8xf32, #tpu.memory_space<vmem_shared>>)
      tpu.yield
    }) : () -> ()
    %mul3A_5 = arith.constant 6272 : i32
    %mul3A_6 = arith.muli %arg1, %mul3A_5 : i32
    %mul3A_7 = arith.constant 6272 : i32
    %mul3A_8 = arith.muli %arg1, %mul3A_7 : i32
    "tpu.region"() ({
      %run_scoped3A = tpu.sem_alloc : memref<!tpu.dma_semaphore, #tpu.memory_space<semaphore_mem>>
      %dma_start3A_125 = arith.constant 0 : i32
      %dma_start3A_126 = tpu.memref_slice %arg21[%mul3A_8, %dma_start3A_125] : memref<100352x8xf32, #tpu.memory_space<vmem_shared>> -> memref<6272x8xf32, #tpu.memory_space<vmem_shared>>
      %dma_start3A_127 = arith.constant 0 : i32
      %dma_start3A_128 = tpu.memref_slice %arg5[%mul3A_6, %dma_start3A_127] : memref<100352x8xf32, #tpu.memory_space<hbm>> -> memref<6272x8xf32, #tpu.memory_space<hbm>>
      tpu.enqueue_dma source(%dma_start3A_128 : memref<6272x8xf32, #tpu.memory_space<hbm>>) target(%dma_start3A_126 : memref<6272x8xf32, #tpu.memory_space<vmem_shared>>) target_semaphore(%run_scoped3A : memref<!tpu.dma_semaphore, #tpu.memory_space<semaphore_mem>>)
      %dma_wait3A_129 = arith.constant 0 : i32
      %dma_wait3A_130 = tpu.memref_slice %arg21[%mul3A_8, %dma_wait3A_129] : memref<100352x8xf32, #tpu.memory_space<vmem_shared>> -> memref<6272x8xf32, #tpu.memory_space<vmem_shared>>
      %dma_wait3A_131 = arith.constant 0 : i32
      %dma_wait3A_132 = tpu.memref_slice %arg5[%mul3A_6, %dma_wait3A_131] : memref<100352x8xf32, #tpu.memory_space<hbm>> -> memref<6272x8xf32, #tpu.memory_space<hbm>>
      tpu.wait_dma2 semaphore(%run_scoped3A : memref<!tpu.dma_semaphore, #tpu.memory_space<semaphore_mem>>) src(%dma_wait3A_132 : memref<6272x8xf32, #tpu.memory_space<hbm>>) dst(%dma_wait3A_130 : memref<6272x8xf32, #tpu.memory_space<vmem_shared>>)
      tpu.yield
    }) : () -> ()
    %barrier3A = arith.constant 0 : index
    tpu.barrier barrier_id(%barrier3A)
    %iota3A = tpu.iota {dimensions = array<i32: 0>} : vector<16xi32>
    %broadcast_in_dim3A = arith.constant 0 : i32
    %broadcast_in_dim3A_9 = vector.broadcast %broadcast_in_dim3A : i32 to vector<16xi32>
    %add3A_10 = arith.constant 1 : i32
    %add3A_11 = vector.broadcast %add3A_10 : i32 to vector<16xi32>
    %add3A_12 = arith.addi %broadcast_in_dim3A_9, %add3A_11 : vector<16xi32>
    %broadcast_in_dim3A_13 = arith.constant 0.000000e+00 : f32
    %broadcast_in_dim3A_14 = vector.broadcast %broadcast_in_dim3A_13 : f32 to vector<16xf32>
    %scan3A = arith.constant 0 : i32
    %scan3A_15 = arith.constant 0 : i32
    %scan3A_16 = arith.constant 32 : i32
    %scan3A_17 = arith.addi %scan3A_15, %scan3A_16 : i32
    %scan3A_18 = arith.constant 1 : i32
    scf.for %scan3A_125 = %scan3A_15 to %scan3A_17 step %scan3A_18  : i32 {
      %mul3A_126 = arith.constant 16 : i32
      %mul3A_127 = arith.muli %scan3A_125, %mul3A_126 : i32
      %add3A_128 = vector.broadcast %mul3A_127 : i32 to vector<16xi32>
      %add3A_129 = arith.addi %add3A_128, %iota3A : vector<16xi32>
      %add3A_130 = arith.constant 2 : i32
      %add3A_131 = vector.broadcast %add3A_130 : i32 to vector<16xi32>
      %add3A_132 = arith.addi %broadcast_in_dim3A_9, %add3A_131 : vector<16xi32>
      tpu.vector_store_idx %arg19[%add3A_129, %add3A_132], %broadcast_in_dim3A_14 : memref<512x8xf32, #tpu.memory_space<vmem>>[vector<16xi32>, vector<16xi32>], vector<16xf32>,
      %add3A_133 = arith.constant 3 : i32
      %add3A_134 = vector.broadcast %add3A_133 : i32 to vector<16xi32>
      %add3A_135 = arith.addi %broadcast_in_dim3A_9, %add3A_134 : vector<16xi32>
      tpu.vector_store_idx %arg19[%add3A_129, %add3A_135], %broadcast_in_dim3A_14 : memref<512x8xf32, #tpu.memory_space<vmem>>[vector<16xi32>, vector<16xi32>], vector<16xf32>,
      %add3A_136 = arith.constant 4 : i32
      %add3A_137 = vector.broadcast %add3A_136 : i32 to vector<16xi32>
      %add3A_138 = arith.addi %broadcast_in_dim3A_9, %add3A_137 : vector<16xi32>
      tpu.vector_store_idx %arg19[%add3A_129, %add3A_138], %broadcast_in_dim3A_14 : memref<512x8xf32, #tpu.memory_space<vmem>>[vector<16xi32>, vector<16xi32>], vector<16xf32>,
      %add3A_139 = arith.constant 5 : i32
      %add3A_140 = vector.broadcast %add3A_139 : i32 to vector<16xi32>
      %add3A_141 = arith.addi %broadcast_in_dim3A_9, %add3A_140 : vector<16xi32>
      tpu.vector_store_idx %arg19[%add3A_129, %add3A_141], %broadcast_in_dim3A_14 : memref<512x8xf32, #tpu.memory_space<vmem>>[vector<16xi32>, vector<16xi32>], vector<16xf32>,
      %add3A_142 = arith.constant 6 : i32
      %add3A_143 = vector.broadcast %add3A_142 : i32 to vector<16xi32>
      %add3A_144 = arith.addi %broadcast_in_dim3A_9, %add3A_143 : vector<16xi32>
      tpu.vector_store_idx %arg19[%add3A_129, %add3A_144], %broadcast_in_dim3A_14 : memref<512x8xf32, #tpu.memory_space<vmem>>[vector<16xi32>, vector<16xi32>], vector<16xf32>,
      %add3A_145 = arith.constant 7 : i32
      %add3A_146 = vector.broadcast %add3A_145 : i32 to vector<16xi32>
      %add3A_147 = arith.addi %broadcast_in_dim3A_9, %add3A_146 : vector<16xi32>
      tpu.vector_store_idx %arg19[%add3A_129, %add3A_147], %broadcast_in_dim3A_14 : memref<512x8xf32, #tpu.memory_space<vmem>>[vector<16xi32>, vector<16xi32>], vector<16xf32>,
    }
    %scan3A_19 = arith.constant 32 : i32
    %dma_start3A = arith.constant 0 : i32
    %dma_start3A_20 = arith.constant 0 : i32
    %dma_start3A_21 = tpu.memref_slice %arg2[%add3A, %dma_start3A, %dma_start3A_20] : memref<32x400x512xi32, #tpu.memory_space<hbm>> -> memref<1x1x512xi32, #tpu.memory_space<hbm>>
    %dma_start3A_22 = tpu.memref_squeeze %dma_start3A_21 : memref<1x1x512xi32, #tpu.memory_space<hbm>> -> memref<512xi32, #tpu.memory_space<hbm>>
    %dma_start3A_23 = arith.constant 0 : i32
    %dma_start3A_24 = tpu.memref_slice %arg2[%add3A, %dma_start3A, %dma_start3A_23] : memref<32x400x512xi32, #tpu.memory_space<hbm>> -> memref<1x1x512xi32, #tpu.memory_space<hbm>>
    %dma_start3A_25 = tpu.memref_squeeze %dma_start3A_24 : memref<1x1x512xi32, #tpu.memory_space<hbm>> -> memref<512xi32, #tpu.memory_space<hbm>>
    tpu.enqueue_dma source(%dma_start3A_25 : memref<512xi32, #tpu.memory_space<hbm>>) target(%arg7 : memref<512xi32, #tpu.memory_space<vmem>>) target_semaphore(%arg22 : memref<!tpu.dma_semaphore, #tpu.memory_space<semaphore_mem>>)
    %dma_start3A_26 = arith.constant 0 : i32
    %dma_start3A_27 = arith.constant 0 : i32
    %dma_start3A_28 = tpu.memref_slice %arg3[%add3A, %dma_start3A_26, %dma_start3A_27] : memref<32x400x512xi32, #tpu.memory_space<hbm>> -> memref<1x1x512xi32, #tpu.memory_space<hbm>>
    %dma_start3A_29 = tpu.memref_squeeze %dma_start3A_28 : memref<1x1x512xi32, #tpu.memory_space<hbm>> -> memref<512xi32, #tpu.memory_space<hbm>>
    %dma_start3A_30 = arith.constant 0 : i32
    %dma_start3A_31 = tpu.memref_slice %arg3[%add3A, %dma_start3A_26, %dma_start3A_30] : memref<32x400x512xi32, #tpu.memory_space<hbm>> -> memref<1x1x512xi32, #tpu.memory_space<hbm>>
    %dma_start3A_32 = tpu.memref_squeeze %dma_start3A_31 : memref<1x1x512xi32, #tpu.memory_space<hbm>> -> memref<512xi32, #tpu.memory_space<hbm>>
    tpu.enqueue_dma source(%dma_start3A_32 : memref<512xi32, #tpu.memory_space<hbm>>) target(%arg11 : memref<512xi32, #tpu.memory_space<vmem>>) target_semaphore(%arg22 : memref<!tpu.dma_semaphore, #tpu.memory_space<semaphore_mem>>)
    %dma_start3A_33 = arith.constant 1 : i32
    %dma_start3A_34 = arith.constant 0 : i32
    %dma_start3A_35 = tpu.memref_slice %arg2[%add3A, %dma_start3A_33, %dma_start3A_34] : memref<32x400x512xi32, #tpu.memory_space<hbm>> -> memref<1x1x512xi32, #tpu.memory_space<hbm>>
    %dma_start3A_36 = tpu.memref_squeeze %dma_start3A_35 : memref<1x1x512xi32, #tpu.memory_space<hbm>> -> memref<512xi32, #tpu.memory_space<hbm>>
    %dma_start3A_37 = arith.constant 0 : i32
    %dma_start3A_38 = tpu.memref_slice %arg2[%add3A, %dma_start3A_33, %dma_start3A_37] : memref<32x400x512xi32, #tpu.memory_space<hbm>> -> memref<1x1x512xi32, #tpu.memory_space<hbm>>
    %dma_start3A_39 = tpu.memref_squeeze %dma_start3A_38 : memref<1x1x512xi32, #tpu.memory_space<hbm>> -> memref<512xi32, #tpu.memory_space<hbm>>
    tpu.enqueue_dma source(%dma_start3A_39 : memref<512xi32, #tpu.memory_space<hbm>>) target(%arg8 : memref<512xi32, #tpu.memory_space<vmem>>) target_semaphore(%arg23 : memref<!tpu.dma_semaphore, #tpu.memory_space<semaphore_mem>>)
    %dma_start3A_40 = arith.constant 1 : i32
    %dma_start3A_41 = arith.constant 0 : i32
    %dma_start3A_42 = tpu.memref_slice %arg3[%add3A, %dma_start3A_40, %dma_start3A_41] : memref<32x400x512xi32, #tpu.memory_space<hbm>> -> memref<1x1x512xi32, #tpu.memory_space<hbm>>
    %dma_start3A_43 = tpu.memref_squeeze %dma_start3A_42 : memref<1x1x512xi32, #tpu.memory_space<hbm>> -> memref<512xi32, #tpu.memory_space<hbm>>
    %dma_start3A_44 = arith.constant 0 : i32
    %dma_start3A_45 = tpu.memref_slice %arg3[%add3A, %dma_start3A_40, %dma_start3A_44] : memref<32x400x512xi32, #tpu.memory_space<hbm>> -> memref<1x1x512xi32, #tpu.memory_space<hbm>>
    %dma_start3A_46 = tpu.memref_squeeze %dma_start3A_45 : memref<1x1x512xi32, #tpu.memory_space<hbm>> -> memref<512xi32, #tpu.memory_space<hbm>>
    tpu.enqueue_dma source(%dma_start3A_46 : memref<512xi32, #tpu.memory_space<hbm>>) target(%arg12 : memref<512xi32, #tpu.memory_space<vmem>>) target_semaphore(%arg23 : memref<!tpu.dma_semaphore, #tpu.memory_space<semaphore_mem>>)
    %dma_start3A_47 = arith.constant 2 : i32
    %dma_start3A_48 = arith.constant 0 : i32
    %dma_start3A_49 = tpu.memref_slice %arg2[%add3A, %dma_start3A_47, %dma_start3A_48] : memref<32x400x512xi32, #tpu.memory_space<hbm>> -> memref<1x1x512xi32, #tpu.memory_space<hbm>>
    %dma_start3A_50 = tpu.memref_squeeze %dma_start3A_49 : memref<1x1x512xi32, #tpu.memory_space<hbm>> -> memref<512xi32, #tpu.memory_space<hbm>>
    %dma_start3A_51 = arith.constant 0 : i32
    %dma_start3A_52 = tpu.memref_slice %arg2[%add3A, %dma_start3A_47, %dma_start3A_51] : memref<32x400x512xi32, #tpu.memory_space<hbm>> -> memref<1x1x512xi32, #tpu.memory_space<hbm>>
    %dma_start3A_53 = tpu.memref_squeeze %dma_start3A_52 : memref<1x1x512xi32, #tpu.memory_space<hbm>> -> memref<512xi32, #tpu.memory_space<hbm>>
    tpu.enqueue_dma source(%dma_start3A_53 : memref<512xi32, #tpu.memory_space<hbm>>) target(%arg9 : memref<512xi32, #tpu.memory_space<vmem>>) target_semaphore(%arg24 : memref<!tpu.dma_semaphore, #tpu.memory_space<semaphore_mem>>)
    %dma_start3A_54 = arith.constant 2 : i32
    %dma_start3A_55 = arith.constant 0 : i32
    %dma_start3A_56 = tpu.memref_slice %arg3[%add3A, %dma_start3A_54, %dma_start3A_55] : memref<32x400x512xi32, #tpu.memory_space<hbm>> -> memref<1x1x512xi32, #tpu.memory_space<hbm>>
    %dma_start3A_57 = tpu.memref_squeeze %dma_start3A_56 : memref<1x1x512xi32, #tpu.memory_space<hbm>> -> memref<512xi32, #tpu.memory_space<hbm>>
    %dma_start3A_58 = arith.constant 0 : i32
    %dma_start3A_59 = tpu.memref_slice %arg3[%add3A, %dma_start3A_54, %dma_start3A_58] : memref<32x400x512xi32, #tpu.memory_space<hbm>> -> memref<1x1x512xi32, #tpu.memory_space<hbm>>
    %dma_start3A_60 = tpu.memref_squeeze %dma_start3A_59 : memref<1x1x512xi32, #tpu.memory_space<hbm>> -> memref<512xi32, #tpu.memory_space<hbm>>
    tpu.enqueue_dma source(%dma_start3A_60 : memref<512xi32, #tpu.memory_space<hbm>>) target(%arg13 : memref<512xi32, #tpu.memory_space<vmem>>) target_semaphore(%arg24 : memref<!tpu.dma_semaphore, #tpu.memory_space<semaphore_mem>>)
    %dma_start3A_61 = arith.constant 3 : i32
    %dma_start3A_62 = arith.constant 0 : i32
    %dma_start3A_63 = tpu.memref_slice %arg2[%add3A, %dma_start3A_61, %dma_start3A_62] : memref<32x400x512xi32, #tpu.memory_space<hbm>> -> memref<1x1x512xi32, #tpu.memory_space<hbm>>
    %dma_start3A_64 = tpu.memref_squeeze %dma_start3A_63 : memref<1x1x512xi32, #tpu.memory_space<hbm>> -> memref<512xi32, #tpu.memory_space<hbm>>
    %dma_start3A_65 = arith.constant 0 : i32
    %dma_start3A_66 = tpu.memref_slice %arg2[%add3A, %dma_start3A_61, %dma_start3A_65] : memref<32x400x512xi32, #tpu.memory_space<hbm>> -> memref<1x1x512xi32, #tpu.memory_space<hbm>>
    %dma_start3A_67 = tpu.memref_squeeze %dma_start3A_66 : memref<1x1x512xi32, #tpu.memory_space<hbm>> -> memref<512xi32, #tpu.memory_space<hbm>>
    tpu.enqueue_dma source(%dma_start3A_67 : memref<512xi32, #tpu.memory_space<hbm>>) target(%arg10 : memref<512xi32, #tpu.memory_space<vmem>>) target_semaphore(%arg25 : memref<!tpu.dma_semaphore, #tpu.memory_space<semaphore_mem>>)
    %dma_start3A_68 = arith.constant 3 : i32
    %dma_start3A_69 = arith.constant 0 : i32
    %dma_start3A_70 = tpu.memref_slice %arg3[%add3A, %dma_start3A_68, %dma_start3A_69] : memref<32x400x512xi32, #tpu.memory_space<hbm>> -> memref<1x1x512xi32, #tpu.memory_space<hbm>>
    %dma_start3A_71 = tpu.memref_squeeze %dma_start3A_70 : memref<1x1x512xi32, #tpu.memory_space<hbm>> -> memref<512xi32, #tpu.memory_space<hbm>>
    %dma_start3A_72 = arith.constant 0 : i32
    %dma_start3A_73 = tpu.memref_slice %arg3[%add3A, %dma_start3A_68, %dma_start3A_72] : memref<32x400x512xi32, #tpu.memory_space<hbm>> -> memref<1x1x512xi32, #tpu.memory_space<hbm>>
    %dma_start3A_74 = tpu.memref_squeeze %dma_start3A_73 : memref<1x1x512xi32, #tpu.memory_space<hbm>> -> memref<512xi32, #tpu.memory_space<hbm>>
    tpu.enqueue_dma source(%dma_start3A_74 : memref<512xi32, #tpu.memory_space<hbm>>) target(%arg14 : memref<512xi32, #tpu.memory_space<vmem>>) target_semaphore(%arg25 : memref<!tpu.dma_semaphore, #tpu.memory_space<semaphore_mem>>)
    %dma_wait3A = arith.constant 0 : i32
    %dma_wait3A_75 = arith.constant 0 : i32
    %dma_wait3A_76 = tpu.memref_slice %arg2[%add3A, %dma_wait3A, %dma_wait3A_75] : memref<32x400x512xi32, #tpu.memory_space<hbm>> -> memref<1x1x512xi32, #tpu.memory_space<hbm>>
    %dma_wait3A_77 = tpu.memref_squeeze %dma_wait3A_76 : memref<1x1x512xi32, #tpu.memory_space<hbm>> -> memref<512xi32, #tpu.memory_space<hbm>>
    %dma_wait3A_78 = arith.constant 0 : i32
    %dma_wait3A_79 = tpu.memref_slice %arg2[%add3A, %dma_wait3A, %dma_wait3A_78] : memref<32x400x512xi32, #tpu.memory_space<hbm>> -> memref<1x1x512xi32, #tpu.memory_space<hbm>>
    %dma_wait3A_80 = tpu.memref_squeeze %dma_wait3A_79 : memref<1x1x512xi32, #tpu.memory_space<hbm>> -> memref<512xi32, #tpu.memory_space<hbm>>
    tpu.wait_dma2 semaphore(%arg22 : memref<!tpu.dma_semaphore, #tpu.memory_space<semaphore_mem>>) src(%dma_wait3A_80 : memref<512xi32, #tpu.memory_space<hbm>>) dst(%arg7 : memref<512xi32, #tpu.memory_space<vmem>>)
    %dma_wait3A_81 = arith.constant 0 : i32
    %dma_wait3A_82 = arith.constant 0 : i32
    %dma_wait3A_83 = tpu.memref_slice %arg3[%add3A, %dma_wait3A_81, %dma_wait3A_82] : memref<32x400x512xi32, #tpu.memory_space<hbm>> -> memref<1x1x512xi32, #tpu.memory_space<hbm>>
    %dma_wait3A_84 = tpu.memref_squeeze %dma_wait3A_83 : memref<1x1x512xi32, #tpu.memory_space<hbm>> -> memref<512xi32, #tpu.memory_space<hbm>>
    %dma_wait3A_85 = arith.constant 0 : i32
    %dma_wait3A_86 = tpu.memref_slice %arg3[%add3A, %dma_wait3A_81, %dma_wait3A_85] : memref<32x400x512xi32, #tpu.memory_space<hbm>> -> memref<1x1x512xi32, #tpu.memory_space<hbm>>
    %dma_wait3A_87 = tpu.memref_squeeze %dma_wait3A_86 : memref<1x1x512xi32, #tpu.memory_space<hbm>> -> memref<512xi32, #tpu.memory_space<hbm>>
    tpu.wait_dma2 semaphore(%arg22 : memref<!tpu.dma_semaphore, #tpu.memory_space<semaphore_mem>>) src(%dma_wait3A_87 : memref<512xi32, #tpu.memory_space<hbm>>) dst(%arg11 : memref<512xi32, #tpu.memory_space<vmem>>)
    %dma_start3A_88 = arith.constant 0 : i32
    %dma_start3A_89 = arith.constant 0 : i32
    %dma_start3A_90 = tpu.memref_slice %arg21[%dma_start3A_88, %dma_start3A_89] : memref<100352x8xf32, #tpu.memory_space<vmem_shared>> -> memref<100352x8xf32, #tpu.memory_space<vmem_shared>>
    tpu.enqueue_indirect_dma source(%dma_start3A_90 : memref<100352x8xf32, #tpu.memory_space<vmem_shared>>) target(%arg15 : memref<512x8xf32, #tpu.memory_space<vmem>>) offsets(%arg7 : memref<512xi32, #tpu.memory_space<vmem>>) semaphore(%arg26 : memref<!tpu.dma_semaphore, #tpu.memory_space<semaphore_mem>>)
    %dma_start3A_91 = arith.constant 0 : i32
    %dma_start3A_92 = arith.constant 0 : i32
    %dma_start3A_93 = tpu.memref_slice %arg21[%dma_start3A_91, %dma_start3A_92] : memref<100352x8xf32, #tpu.memory_space<vmem_shared>> -> memref<100352x8xf32, #tpu.memory_space<vmem_shared>>
    tpu.enqueue_indirect_dma source(%dma_start3A_93 : memref<100352x8xf32, #tpu.memory_space<vmem_shared>>) target(%arg17 : memref<512x8xf32, #tpu.memory_space<vmem>>) offsets(%arg11 : memref<512xi32, #tpu.memory_space<vmem>>) semaphore(%arg26 : memref<!tpu.dma_semaphore, #tpu.memory_space<semaphore_mem>>)
    %dma_wait3A_94 = arith.constant 0 : i32
    %dma_wait3A_95 = arith.constant 0 : i32
    %dma_wait3A_96 = tpu.memref_slice %arg2[%add3A, %dma_wait3A_94, %dma_wait3A_95] : memref<32x400x512xi32, #tpu.memory_space<hbm>> -> memref<1x1x512xi32, #tpu.memory_space<hbm>>
    %dma_wait3A_97 = tpu.memref_squeeze %dma_wait3A_96 : memref<1x1x512xi32, #tpu.memory_space<hbm>> -> memref<512xi32, #tpu.memory_space<hbm>>
    %dma_wait3A_98 = arith.constant 0 : i32
    %dma_wait3A_99 = tpu.memref_slice %arg2[%add3A, %dma_wait3A_94, %dma_wait3A_98] : memref<32x400x512xi32, #tpu.memory_space<hbm>> -> memref<1x1x512xi32, #tpu.memory_space<hbm>>
    %dma_wait3A_100 = tpu.memref_squeeze %dma_wait3A_99 : memref<1x1x512xi32, #tpu.memory_space<hbm>> -> memref<512xi32, #tpu.memory_space<hbm>>
    tpu.wait_dma2 semaphore(%arg23 : memref<!tpu.dma_semaphore, #tpu.memory_space<semaphore_mem>>) src(%dma_wait3A_100 : memref<512xi32, #tpu.memory_space<hbm>>) dst(%arg8 : memref<512xi32, #tpu.memory_space<vmem>>)
    %dma_wait3A_101 = arith.constant 0 : i32
    %dma_wait3A_102 = arith.constant 0 : i32
    %dma_wait3A_103 = tpu.memref_slice %arg3[%add3A, %dma_wait3A_101, %dma_wait3A_102] : memref<32x400x512xi32, #tpu.memory_space<hbm>> -> memref<1x1x512xi32, #tpu.memory_space<hbm>>
    %dma_wait3A_104 = tpu.memref_squeeze %dma_wait3A_103 : memref<1x1x512xi32, #tpu.memory_space<hbm>> -> memref<512xi32, #tpu.memory_space<hbm>>
    %dma_wait3A_105 = arith.constant 0 : i32
    %dma_wait3A_106 = tpu.memref_slice %arg3[%add3A, %dma_wait3A_101, %dma_wait3A_105] : memref<32x400x512xi32, #tpu.memory_space<hbm>> -> memref<1x1x512xi32, #tpu.memory_space<hbm>>
    %dma_wait3A_107 = tpu.memref_squeeze %dma_wait3A_106 : memref<1x1x512xi32, #tpu.memory_space<hbm>> -> memref<512xi32, #tpu.memory_space<hbm>>
    tpu.wait_dma2 semaphore(%arg23 : memref<!tpu.dma_semaphore, #tpu.memory_space<semaphore_mem>>) src(%dma_wait3A_107 : memref<512xi32, #tpu.memory_space<hbm>>) dst(%arg12 : memref<512xi32, #tpu.memory_space<vmem>>)
    %dma_start3A_108 = arith.constant 0 : i32
    %dma_start3A_109 = arith.constant 0 : i32
    %dma_start3A_110 = tpu.memref_slice %arg21[%dma_start3A_108, %dma_start3A_109] : memref<100352x8xf32, #tpu.memory_space<vmem_shared>> -> memref<100352x8xf32, #tpu.memory_space<vmem_shared>>
    tpu.enqueue_indirect_dma source(%dma_start3A_110 : memref<100352x8xf32, #tpu.memory_space<vmem_shared>>) target(%arg16 : memref<512x8xf32, #tpu.memory_space<vmem>>) offsets(%arg8 : memref<512xi32, #tpu.memory_space<vmem>>) semaphore(%arg27 : memref<!tpu.dma_semaphore, #tpu.memory_space<semaphore_mem>>)
    %dma_start3A_111 = arith.constant 0 : i32
    %dma_start3A_112 = arith.constant 0 : i32
    %dma_start3A_113 = tpu.memref_slice %arg21[%dma_start3A_111, %dma_start3A_112] : memref<100352x8xf32, #tpu.memory_space<vmem_shared>> -> memref<100352x8xf32, #tpu.memory_space<vmem_shared>>
    tpu.enqueue_indirect_dma source(%dma_start3A_113 : memref<100352x8xf32, #tpu.memory_space<vmem_shared>>) target(%arg18 : memref<512x8xf32, #tpu.memory_space<vmem>>) offsets(%arg12 : memref<512xi32, #tpu.memory_space<vmem>>) semaphore(%arg27 : memref<!tpu.dma_semaphore, #tpu.memory_space<semaphore_mem>>)
    %scan3A_114 = arith.constant 0 : i32
    %scan3A_115 = arith.constant 0 : i32
    %scan3A_116 = arith.constant 100 : i32
    %scan3A_117 = arith.addi %scan3A_115, %scan3A_116 : i32
    %scan3A_118 = arith.constant 1 : i32
    scf.for %scan3A_125 = %scan3A_115 to %scan3A_117 step %scan3A_118  : i32 {
      %mul3A_126 = arith.constant 4 : i32
      %mul3A_127 = arith.muli %mul3A_126, %scan3A_125 : i32
      %add3A_128 = arith.constant 0 : i32
      %add3A_129 = arith.addi %mul3A_127, %add3A_128 : i32
      %dma_wait3A_130 = arith.constant 0 : i32
      %dma_wait3A_131 = arith.constant 0 : i32
      %dma_wait3A_132 = tpu.memref_slice %arg21[%dma_wait3A_130, %dma_wait3A_131] : memref<100352x8xf32, #tpu.memory_space<vmem_shared>> -> memref<100352x8xf32, #tpu.memory_space<vmem_shared>>
      tpu.wait_indirect_dma semaphore(%arg26 : memref<!tpu.dma_semaphore, #tpu.memory_space<semaphore_mem>>) src(%dma_wait3A_132 : memref<100352x8xf32, #tpu.memory_space<vmem_shared>>) dst(%arg15 : memref<512x8xf32, #tpu.memory_space<vmem>>)
      %dma_wait3A_133 = arith.constant 0 : i32
      %dma_wait3A_134 = arith.constant 0 : i32
      %dma_wait3A_135 = tpu.memref_slice %arg21[%dma_wait3A_133, %dma_wait3A_134] : memref<100352x8xf32, #tpu.memory_space<vmem_shared>> -> memref<100352x8xf32, #tpu.memory_space<vmem_shared>>
      tpu.wait_indirect_dma semaphore(%arg26 : memref<!tpu.dma_semaphore, #tpu.memory_space<semaphore_mem>>) src(%dma_wait3A_135 : memref<100352x8xf32, #tpu.memory_space<vmem_shared>>) dst(%arg17 : memref<512x8xf32, #tpu.memory_space<vmem>>)
      %scan3A_136 = arith.constant 0 : i32
      %scan3A_137 = arith.constant 0 : i32
      %scan3A_138 = arith.constant 32 : i32
      %scan3A_139 = arith.addi %scan3A_137, %scan3A_138 : i32
      %scan3A_140 = arith.constant 1 : i32
      scf.for %scan3A_237 = %scan3A_137 to %scan3A_139 step %scan3A_140  : i32 {
        %mul3A_238 = arith.constant 16 : i32
        %mul3A_239 = arith.muli %scan3A_237, %mul3A_238 : i32
        %add3A_240 = vector.broadcast %mul3A_239 : i32 to vector<16xi32>
        %add3A_241 = arith.addi %add3A_240, %iota3A : vector<16xi32>
        %gather3A = tpu.vector_load_idx %arg7[%add3A_241] : memref<512xi32, #tpu.memory_space<vmem>>[vector<16xi32>], vector<16xi32>,
        %gather3A_242 = tpu.vector_load_idx %arg11[%add3A_241] : memref<512xi32, #tpu.memory_space<vmem>>[vector<16xi32>], vector<16xi32>,
        %gather3A_243 = tpu.vector_load_idx %arg15[%add3A_241, %broadcast_in_dim3A_9] : memref<512x8xf32, #tpu.memory_space<vmem>>[vector<16xi32>, vector<16xi32>], vector<16xf32>,
        %gather3A_244 = tpu.vector_load_idx %arg15[%add3A_241, %add3A_12] : memref<512x8xf32, #tpu.memory_space<vmem>>[vector<16xi32>, vector<16xi32>], vector<16xf32>,
        %add3A_245 = arith.constant 2 : i32
        %add3A_246 = vector.broadcast %add3A_245 : i32 to vector<16xi32>
        %add3A_247 = arith.addi %broadcast_in_dim3A_9, %add3A_246 : vector<16xi32>
        %gather3A_248 = tpu.vector_load_idx %arg15[%add3A_241, %add3A_247] : memref<512x8xf32, #tpu.memory_space<vmem>>[vector<16xi32>, vector<16xi32>], vector<16xf32>,
        %add3A_249 = arith.constant 3 : i32
        %add3A_250 = vector.broadcast %add3A_249 : i32 to vector<16xi32>
        %add3A_251 = arith.addi %broadcast_in_dim3A_9, %add3A_250 : vector<16xi32>
        %gather3A_252 = tpu.vector_load_idx %arg15[%add3A_241, %add3A_251] : memref<512x8xf32, #tpu.memory_space<vmem>>[vector<16xi32>, vector<16xi32>], vector<16xf32>,
        %add3A_253 = arith.constant 4 : i32
        %add3A_254 = vector.broadcast %add3A_253 : i32 to vector<16xi32>
        %add3A_255 = arith.addi %broadcast_in_dim3A_9, %add3A_254 : vector<16xi32>
        %gather3A_256 = tpu.vector_load_idx %arg15[%add3A_241, %add3A_255] : memref<512x8xf32, #tpu.memory_space<vmem>>[vector<16xi32>, vector<16xi32>], vector<16xf32>,
        %add3A_257 = arith.constant 5 : i32
        %add3A_258 = vector.broadcast %add3A_257 : i32 to vector<16xi32>
        %add3A_259 = arith.addi %broadcast_in_dim3A_9, %add3A_258 : vector<16xi32>
        %gather3A_260 = tpu.vector_load_idx %arg15[%add3A_241, %add3A_259] : memref<512x8xf32, #tpu.memory_space<vmem>>[vector<16xi32>, vector<16xi32>], vector<16xf32>,
        %add3A_261 = arith.constant 6 : i32
        %add3A_262 = vector.broadcast %add3A_261 : i32 to vector<16xi32>
        %add3A_263 = arith.addi %broadcast_in_dim3A_9, %add3A_262 : vector<16xi32>
        %gather3A_264 = tpu.vector_load_idx %arg15[%add3A_241, %add3A_263] : memref<512x8xf32, #tpu.memory_space<vmem>>[vector<16xi32>, vector<16xi32>], vector<16xf32>,
        %gather3A_265 = tpu.vector_load_idx %arg17[%add3A_241, %broadcast_in_dim3A_9] : memref<512x8xf32, #tpu.memory_space<vmem>>[vector<16xi32>, vector<16xi32>], vector<16xf32>,
        %gather3A_266 = tpu.vector_load_idx %arg17[%add3A_241, %add3A_12] : memref<512x8xf32, #tpu.memory_space<vmem>>[vector<16xi32>, vector<16xi32>], vector<16xf32>,
        %add3A_267 = arith.constant 2 : i32
        %add3A_268 = vector.broadcast %add3A_267 : i32 to vector<16xi32>
        %add3A_269 = arith.addi %broadcast_in_dim3A_9, %add3A_268 : vector<16xi32>
        %gather3A_270 = tpu.vector_load_idx %arg17[%add3A_241, %add3A_269] : memref<512x8xf32, #tpu.memory_space<vmem>>[vector<16xi32>, vector<16xi32>], vector<16xf32>,
        %add3A_271 = arith.constant 3 : i32
        %add3A_272 = vector.broadcast %add3A_271 : i32 to vector<16xi32>
        %add3A_273 = arith.addi %broadcast_in_dim3A_9, %add3A_272 : vector<16xi32>
        %gather3A_274 = tpu.vector_load_idx %arg17[%add3A_241, %add3A_273] : memref<512x8xf32, #tpu.memory_space<vmem>>[vector<16xi32>, vector<16xi32>], vector<16xf32>,
        %sub3A = arith.subf %gather3A_265, %gather3A_243 : vector<16xf32>
        %sub3A_275 = arith.subf %gather3A_266, %gather3A_244 : vector<16xf32>
        %mul3A_276 = arith.mulf %sub3A, %sub3A : vector<16xf32>
        %mul3A_277 = arith.mulf %sub3A_275, %sub3A_275 : vector<16xf32>
        %add3A_278 = arith.addf %mul3A_276, %mul3A_277 : vector<16xf32>
        %ne3A = arith.cmpi ne, %gather3A, %gather3A_242 : vector<16xi32>
        %jit3A = arith.constant 1.000000e+00 : f32
        %broadcast_in_dim3A_279 = vector.broadcast %jit3A : f32 to vector<16xf32>
        %select_n3A = arith.select %ne3A, %add3A_278, %broadcast_in_dim3A_279 : vector<16xi1>, vector<16xf32>
        %div3A = arith.divf %gather3A_264, %select_n3A : vector<16xf32>
        %jit3A_280 = arith.constant 1.000000e+00 : f32
        %jit3A_281 = arith.constant 0.000000e+00 : f32
        %broadcast_in_dim3A_282 = vector.broadcast %jit3A_280 : f32 to vector<16xf32>
        %broadcast_in_dim3A_283 = vector.broadcast %jit3A_281 : f32 to vector<16xf32>
        %select_n3A_284 = arith.select %ne3A, %broadcast_in_dim3A_282, %broadcast_in_dim3A_283 : vector<16xi1>, vector<16xf32>
        %sub3A_285 = arith.subf %gather3A_256, %div3A : vector<16xf32>
        %mul3A_286 = arith.mulf %sub3A_285, %select_n3A_284 : vector<16xf32>
        %mul3A_287 = arith.mulf %gather3A_260, %select_n3A_284 : vector<16xf32>
        %mul3A_288 = arith.mulf %mul3A_286, %sub3A : vector<16xf32>
        %sub3A_289 = arith.subf %gather3A_270, %gather3A_248 : vector<16xf32>
        %mul3A_290 = arith.mulf %mul3A_287, %sub3A_289 : vector<16xf32>
        %add3A_291 = arith.addf %mul3A_288, %mul3A_290 : vector<16xf32>
        %mul3A_292 = arith.mulf %mul3A_286, %sub3A_275 : vector<16xf32>
        %sub3A_293 = arith.subf %gather3A_274, %gather3A_252 : vector<16xf32>
        %mul3A_294 = arith.mulf %mul3A_287, %sub3A_293 : vector<16xf32>
        %add3A_295 = arith.addf %mul3A_292, %mul3A_294 : vector<16xf32>
        tpu.vector_store_idx %arg19[%add3A_241, %broadcast_in_dim3A_9], %add3A_291 : memref<512x8xf32, #tpu.memory_space<vmem>>[vector<16xi32>, vector<16xi32>], vector<16xf32>,
        tpu.vector_store_idx %arg19[%add3A_241, %add3A_12], %add3A_295 : memref<512x8xf32, #tpu.memory_space<vmem>>[vector<16xi32>, vector<16xi32>], vector<16xf32>,
      }
      %scan3A_141 = arith.constant 32 : i32
      "tpu.region"() ({
        %run_scoped3A = tpu.sem_alloc : memref<!tpu.dma_semaphore, #tpu.memory_space<semaphore_mem>>
        %dma_start3A_237 = arith.constant 0 : i32
        %dma_start3A_238 = arith.constant 0 : i32
        %dma_start3A_239 = tpu.memref_slice %arg20[%dma_start3A_237, %dma_start3A_238] : memref<100352x8xf32, #tpu.memory_space<vmem_shared>> -> memref<100352x8xf32, #tpu.memory_space<vmem_shared>>
        tpu.enqueue_indirect_dma source(%arg19 : memref<512x8xf32, #tpu.memory_space<vmem>>) target(%dma_start3A_239 : memref<100352x8xf32, #tpu.memory_space<vmem_shared>>) offsets(%arg7 : memref<512xi32, #tpu.memory_space<vmem>>) semaphore(%run_scoped3A : memref<!tpu.dma_semaphore, #tpu.memory_space<semaphore_mem>>) {add = true}
        %dma_wait3A_240 = arith.constant 0 : i32
        %dma_wait3A_241 = arith.constant 0 : i32
        %dma_wait3A_242 = tpu.memref_slice %arg20[%dma_wait3A_240, %dma_wait3A_241] : memref<100352x8xf32, #tpu.memory_space<vmem_shared>> -> memref<100352x8xf32, #tpu.memory_space<vmem_shared>>
        tpu.wait_indirect_dma semaphore(%run_scoped3A : memref<!tpu.dma_semaphore, #tpu.memory_space<semaphore_mem>>) src(%arg19 : memref<512x8xf32, #tpu.memory_space<vmem>>) dst(%dma_wait3A_242 : memref<100352x8xf32, #tpu.memory_space<vmem_shared>>)
        tpu.yield
      }) : () -> ()
      %add3A_142 = arith.constant 4 : i32
      %add3A_143 = arith.addi %add3A_129, %add3A_142 : i32
      %lt3A = arith.constant 400 : i32
      %lt3A_144 = arith.cmpi slt, %add3A_143, %lt3A : i32
      %convert_element_type3A = arith.extui %lt3A_144 : i1 to i32
      %cond3A = arith.constant 0 : i32
      %cond3A_145 = arith.cmpi ne, %convert_element_type3A, %cond3A : i32
      scf.if %cond3A_145 {
        %add3A_237 = arith.constant 4 : i32
        %add3A_238 = arith.addi %add3A_129, %add3A_237 : i32
        %dma_start3A_239 = arith.constant 0 : i32
        %dma_start3A_240 = tpu.memref_slice %arg2[%add3A, %add3A_238, %dma_start3A_239] : memref<32x400x512xi32, #tpu.memory_space<hbm>> -> memref<1x1x512xi32, #tpu.memory_space<hbm>>
        %dma_start3A_241 = tpu.memref_squeeze %dma_start3A_240 : memref<1x1x512xi32, #tpu.memory_space<hbm>> -> memref<512xi32, #tpu.memory_space<hbm>>
        %dma_start3A_242 = arith.constant 0 : i32
        %dma_start3A_243 = tpu.memref_slice %arg2[%add3A, %add3A_238, %dma_start3A_242] : memref<32x400x512xi32, #tpu.memory_space<hbm>> -> memref<1x1x512xi32, #tpu.memory_space<hbm>>
        %dma_start3A_244 = tpu.memref_squeeze %dma_start3A_243 : memref<1x1x512xi32, #tpu.memory_space<hbm>> -> memref<512xi32, #tpu.memory_space<hbm>>
        tpu.enqueue_dma source(%dma_start3A_244 : memref<512xi32, #tpu.memory_space<hbm>>) target(%arg7 : memref<512xi32, #tpu.memory_space<vmem>>) target_semaphore(%arg22 : memref<!tpu.dma_semaphore, #tpu.memory_space<semaphore_mem>>)
        %dma_start3A_245 = arith.constant 0 : i32
        %dma_start3A_246 = tpu.memref_slice %arg3[%add3A, %add3A_238, %dma_start3A_245] : memref<32x400x512xi32, #tpu.memory_space<hbm>> -> memref<1x1x512xi32, #tpu.memory_space<hbm>>
        %dma_start3A_247 = tpu.memref_squeeze %dma_start3A_246 : memref<1x1x512xi32, #tpu.memory_space<hbm>> -> memref<512xi32, #tpu.memory_space<hbm>>
        %dma_start3A_248 = arith.constant 0 : i32
        %dma_start3A_249 = tpu.memref_slice %arg3[%add3A, %add3A_238, %dma_start3A_248] : memref<32x400x512xi32, #tpu.memory_space<hbm>> -> memref<1x1x512xi32, #tpu.memory_space<hbm>>
        %dma_start3A_250 = tpu.memref_squeeze %dma_start3A_249 : memref<1x1x512xi32, #tpu.memory_space<hbm>> -> memref<512xi32, #tpu.memory_space<hbm>>
        tpu.enqueue_dma source(%dma_start3A_250 : memref<512xi32, #tpu.memory_space<hbm>>) target(%arg11 : memref<512xi32, #tpu.memory_space<vmem>>) target_semaphore(%arg22 : memref<!tpu.dma_semaphore, #tpu.memory_space<semaphore_mem>>)
      } else {
      }
      %add3A_146 = arith.constant 2 : i32
      %add3A_147 = arith.addi %add3A_129, %add3A_146 : i32
      %lt3A_148 = arith.constant 400 : i32
      %lt3A_149 = arith.cmpi slt, %add3A_147, %lt3A_148 : i32
      %convert_element_type3A_150 = arith.extui %lt3A_149 : i1 to i32
      %cond3A_151 = arith.constant 0 : i32
      %cond3A_152 = arith.cmpi ne, %convert_element_type3A_150, %cond3A_151 : i32
      scf.if %cond3A_152 {
        %dma_wait3A_237 = arith.constant 0 : i32
        %dma_wait3A_238 = arith.constant 0 : i32
        %dma_wait3A_239 = tpu.memref_slice %arg2[%add3A, %dma_wait3A_237, %dma_wait3A_238] : memref<32x400x512xi32, #tpu.memory_space<hbm>> -> memref<1x1x512xi32, #tpu.memory_space<hbm>>
        %dma_wait3A_240 = tpu.memref_squeeze %dma_wait3A_239 : memref<1x1x512xi32, #tpu.memory_space<hbm>> -> memref<512xi32, #tpu.memory_space<hbm>>
        %dma_wait3A_241 = arith.constant 0 : i32
        %dma_wait3A_242 = tpu.memref_slice %arg2[%add3A, %dma_wait3A_237, %dma_wait3A_241] : memref<32x400x512xi32, #tpu.memory_space<hbm>> -> memref<1x1x512xi32, #tpu.memory_space<hbm>>
        %dma_wait3A_243 = tpu.memref_squeeze %dma_wait3A_242 : memref<1x1x512xi32, #tpu.memory_space<hbm>> -> memref<512xi32, #tpu.memory_space<hbm>>
        tpu.wait_dma2 semaphore(%arg24 : memref<!tpu.dma_semaphore, #tpu.memory_space<semaphore_mem>>) src(%dma_wait3A_243 : memref<512xi32, #tpu.memory_space<hbm>>) dst(%arg9 : memref<512xi32, #tpu.memory_space<vmem>>)
        %dma_wait3A_244 = arith.constant 0 : i32
        %dma_wait3A_245 = arith.constant 0 : i32
        %dma_wait3A_246 = tpu.memref_slice %arg3[%add3A, %dma_wait3A_244, %dma_wait3A_245] : memref<32x400x512xi32, #tpu.memory_space<hbm>> -> memref<1x1x512xi32, #tpu.memory_space<hbm>>
        %dma_wait3A_247 = tpu.memref_squeeze %dma_wait3A_246 : memref<1x1x512xi32, #tpu.memory_space<hbm>> -> memref<512xi32, #tpu.memory_space<hbm>>
        %dma_wait3A_248 = arith.constant 0 : i32
        %dma_wait3A_249 = tpu.memref_slice %arg3[%add3A, %dma_wait3A_244, %dma_wait3A_248] : memref<32x400x512xi32, #tpu.memory_space<hbm>> -> memref<1x1x512xi32, #tpu.memory_space<hbm>>
        %dma_wait3A_250 = tpu.memref_squeeze %dma_wait3A_249 : memref<1x1x512xi32, #tpu.memory_space<hbm>> -> memref<512xi32, #tpu.memory_space<hbm>>
        tpu.wait_dma2 semaphore(%arg24 : memref<!tpu.dma_semaphore, #tpu.memory_space<semaphore_mem>>) src(%dma_wait3A_250 : memref<512xi32, #tpu.memory_space<hbm>>) dst(%arg13 : memref<512xi32, #tpu.memory_space<vmem>>)
        %dma_start3A_251 = arith.constant 0 : i32
        %dma_start3A_252 = arith.constant 0 : i32
        %dma_start3A_253 = tpu.memref_slice %arg21[%dma_start3A_251, %dma_start3A_252] : memref<100352x8xf32, #tpu.memory_space<vmem_shared>> -> memref<100352x8xf32, #tpu.memory_space<vmem_shared>>
        tpu.enqueue_indirect_dma source(%dma_start3A_253 : memref<100352x8xf32, #tpu.memory_space<vmem_shared>>) target(%arg15 : memref<512x8xf32, #tpu.memory_space<vmem>>) offsets(%arg9 : memref<512xi32, #tpu.memory_space<vmem>>) semaphore(%arg26 : memref<!tpu.dma_semaphore, #tpu.memory_space<semaphore_mem>>)
        %dma_start3A_254 = arith.constant 0 : i32
        %dma_start3A_255 = arith.constant 0 : i32
        %dma_start3A_256 = tpu.memref_slice %arg21[%dma_start3A_254, %dma_start3A_255] : memref<100352x8xf32, #tpu.memory_space<vmem_shared>> -> memref<100352x8xf32, #tpu.memory_space<vmem_shared>>
        tpu.enqueue_indirect_dma source(%dma_start3A_256 : memref<100352x8xf32, #tpu.memory_space<vmem_shared>>) target(%arg17 : memref<512x8xf32, #tpu.memory_space<vmem>>) offsets(%arg13 : memref<512xi32, #tpu.memory_space<vmem>>) semaphore(%arg26 : memref<!tpu.dma_semaphore, #tpu.memory_space<semaphore_mem>>)
      } else {
      }
      %add3A_153 = arith.constant 1 : i32
      %add3A_154 = arith.addi %mul3A_127, %add3A_153 : i32
      %dma_wait3A_155 = arith.constant 0 : i32
      %dma_wait3A_156 = arith.constant 0 : i32
      %dma_wait3A_157 = tpu.memref_slice %arg21[%dma_wait3A_155, %dma_wait3A_156] : memref<100352x8xf32, #tpu.memory_space<vmem_shared>> -> memref<100352x8xf32, #tpu.memory_space<vmem_shared>>
      tpu.wait_indirect_dma semaphore(%arg27 : memref<!tpu.dma_semaphore, #tpu.memory_space<semaphore_mem>>) src(%dma_wait3A_157 : memref<100352x8xf32, #tpu.memory_space<vmem_shared>>) dst(%arg16 : memref<512x8xf32, #tpu.memory_space<vmem>>)
      %dma_wait3A_158 = arith.constant 0 : i32
      %dma_wait3A_159 = arith.constant 0 : i32
      %dma_wait3A_160 = tpu.memref_slice %arg21[%dma_wait3A_158, %dma_wait3A_159] : memref<100352x8xf32, #tpu.memory_space<vmem_shared>> -> memref<100352x8xf32, #tpu.memory_space<vmem_shared>>
      tpu.wait_indirect_dma semaphore(%arg27 : memref<!tpu.dma_semaphore, #tpu.memory_space<semaphore_mem>>) src(%dma_wait3A_160 : memref<100352x8xf32, #tpu.memory_space<vmem_shared>>) dst(%arg18 : memref<512x8xf32, #tpu.memory_space<vmem>>)
      %scan3A_161 = arith.constant 0 : i32
      %scan3A_162 = arith.constant 0 : i32
      %scan3A_163 = arith.constant 32 : i32
      %scan3A_164 = arith.addi %scan3A_162, %scan3A_163 : i32
      %scan3A_165 = arith.constant 1 : i32
      scf.for %scan3A_237 = %scan3A_162 to %scan3A_164 step %scan3A_165  : i32 {
        %mul3A_238 = arith.constant 16 : i32
        %mul3A_239 = arith.muli %scan3A_237, %mul3A_238 : i32
        %add3A_240 = vector.broadcast %mul3A_239 : i32 to vector<16xi32>
        %add3A_241 = arith.addi %add3A_240, %iota3A : vector<16xi32>
        %gather3A = tpu.vector_load_idx %arg8[%add3A_241] : memref<512xi32, #tpu.memory_space<vmem>>[vector<16xi32>], vector<16xi32>,
        %gather3A_242 = tpu.vector_load_idx %arg12[%add3A_241] : memref<512xi32, #tpu.memory_space<vmem>>[vector<16xi32>], vector<16xi32>,
        %gather3A_243 = tpu.vector_load_idx %arg16[%add3A_241, %broadcast_in_dim3A_9] : memref<512x8xf32, #tpu.memory_space<vmem>>[vector<16xi32>, vector<16xi32>], vector<16xf32>,
        %gather3A_244 = tpu.vector_load_idx %arg16[%add3A_241, %add3A_12] : memref<512x8xf32, #tpu.memory_space<vmem>>[vector<16xi32>, vector<16xi32>], vector<16xf32>,
        %add3A_245 = arith.constant 2 : i32
        %add3A_246 = vector.broadcast %add3A_245 : i32 to vector<16xi32>
        %add3A_247 = arith.addi %broadcast_in_dim3A_9, %add3A_246 : vector<16xi32>
        %gather3A_248 = tpu.vector_load_idx %arg16[%add3A_241, %add3A_247] : memref<512x8xf32, #tpu.memory_space<vmem>>[vector<16xi32>, vector<16xi32>], vector<16xf32>,
        %add3A_249 = arith.constant 3 : i32
        %add3A_250 = vector.broadcast %add3A_249 : i32 to vector<16xi32>
        %add3A_251 = arith.addi %broadcast_in_dim3A_9, %add3A_250 : vector<16xi32>
        %gather3A_252 = tpu.vector_load_idx %arg16[%add3A_241, %add3A_251] : memref<512x8xf32, #tpu.memory_space<vmem>>[vector<16xi32>, vector<16xi32>], vector<16xf32>,
        %add3A_253 = arith.constant 4 : i32
        %add3A_254 = vector.broadcast %add3A_253 : i32 to vector<16xi32>
        %add3A_255 = arith.addi %broadcast_in_dim3A_9, %add3A_254 : vector<16xi32>
        %gather3A_256 = tpu.vector_load_idx %arg16[%add3A_241, %add3A_255] : memref<512x8xf32, #tpu.memory_space<vmem>>[vector<16xi32>, vector<16xi32>], vector<16xf32>,
        %add3A_257 = arith.constant 5 : i32
        %add3A_258 = vector.broadcast %add3A_257 : i32 to vector<16xi32>
        %add3A_259 = arith.addi %broadcast_in_dim3A_9, %add3A_258 : vector<16xi32>
        %gather3A_260 = tpu.vector_load_idx %arg16[%add3A_241, %add3A_259] : memref<512x8xf32, #tpu.memory_space<vmem>>[vector<16xi32>, vector<16xi32>], vector<16xf32>,
        %add3A_261 = arith.constant 6 : i32
        %add3A_262 = vector.broadcast %add3A_261 : i32 to vector<16xi32>
        %add3A_263 = arith.addi %broadcast_in_dim3A_9, %add3A_262 : vector<16xi32>
        %gather3A_264 = tpu.vector_load_idx %arg16[%add3A_241, %add3A_263] : memref<512x8xf32, #tpu.memory_space<vmem>>[vector<16xi32>, vector<16xi32>], vector<16xf32>,
        %gather3A_265 = tpu.vector_load_idx %arg18[%add3A_241, %broadcast_in_dim3A_9] : memref<512x8xf32, #tpu.memory_space<vmem>>[vector<16xi32>, vector<16xi32>], vector<16xf32>,
        %gather3A_266 = tpu.vector_load_idx %arg18[%add3A_241, %add3A_12] : memref<512x8xf32, #tpu.memory_space<vmem>>[vector<16xi32>, vector<16xi32>], vector<16xf32>,
        %add3A_267 = arith.constant 2 : i32
        %add3A_268 = vector.broadcast %add3A_267 : i32 to vector<16xi32>
        %add3A_269 = arith.addi %broadcast_in_dim3A_9, %add3A_268 : vector<16xi32>
        %gather3A_270 = tpu.vector_load_idx %arg18[%add3A_241, %add3A_269] : memref<512x8xf32, #tpu.memory_space<vmem>>[vector<16xi32>, vector<16xi32>], vector<16xf32>,
        %add3A_271 = arith.constant 3 : i32
        %add3A_272 = vector.broadcast %add3A_271 : i32 to vector<16xi32>
        %add3A_273 = arith.addi %broadcast_in_dim3A_9, %add3A_272 : vector<16xi32>
        %gather3A_274 = tpu.vector_load_idx %arg18[%add3A_241, %add3A_273] : memref<512x8xf32, #tpu.memory_space<vmem>>[vector<16xi32>, vector<16xi32>], vector<16xf32>,
        %sub3A = arith.subf %gather3A_265, %gather3A_243 : vector<16xf32>
        %sub3A_275 = arith.subf %gather3A_266, %gather3A_244 : vector<16xf32>
        %mul3A_276 = arith.mulf %sub3A, %sub3A : vector<16xf32>
        %mul3A_277 = arith.mulf %sub3A_275, %sub3A_275 : vector<16xf32>
        %add3A_278 = arith.addf %mul3A_276, %mul3A_277 : vector<16xf32>
        %ne3A = arith.cmpi ne, %gather3A, %gather3A_242 : vector<16xi32>
        %jit3A = arith.constant 1.000000e+00 : f32
        %broadcast_in_dim3A_279 = vector.broadcast %jit3A : f32 to vector<16xf32>
        %select_n3A = arith.select %ne3A, %add3A_278, %broadcast_in_dim3A_279 : vector<16xi1>, vector<16xf32>
        %div3A = arith.divf %gather3A_264, %select_n3A : vector<16xf32>
        %jit3A_280 = arith.constant 1.000000e+00 : f32
        %jit3A_281 = arith.constant 0.000000e+00 : f32
        %broadcast_in_dim3A_282 = vector.broadcast %jit3A_280 : f32 to vector<16xf32>
        %broadcast_in_dim3A_283 = vector.broadcast %jit3A_281 : f32 to vector<16xf32>
        %select_n3A_284 = arith.select %ne3A, %broadcast_in_dim3A_282, %broadcast_in_dim3A_283 : vector<16xi1>, vector<16xf32>
        %sub3A_285 = arith.subf %gather3A_256, %div3A : vector<16xf32>
        %mul3A_286 = arith.mulf %sub3A_285, %select_n3A_284 : vector<16xf32>
        %mul3A_287 = arith.mulf %gather3A_260, %select_n3A_284 : vector<16xf32>
        %mul3A_288 = arith.mulf %mul3A_286, %sub3A : vector<16xf32>
        %sub3A_289 = arith.subf %gather3A_270, %gather3A_248 : vector<16xf32>
        %mul3A_290 = arith.mulf %mul3A_287, %sub3A_289 : vector<16xf32>
        %add3A_291 = arith.addf %mul3A_288, %mul3A_290 : vector<16xf32>
        %mul3A_292 = arith.mulf %mul3A_286, %sub3A_275 : vector<16xf32>
        %sub3A_293 = arith.subf %gather3A_274, %gather3A_252 : vector<16xf32>
        %mul3A_294 = arith.mulf %mul3A_287, %sub3A_293 : vector<16xf32>
        %add3A_295 = arith.addf %mul3A_292, %mul3A_294 : vector<16xf32>
        tpu.vector_store_idx %arg19[%add3A_241, %broadcast_in_dim3A_9], %add3A_291 : memref<512x8xf32, #tpu.memory_space<vmem>>[vector<16xi32>, vector<16xi32>], vector<16xf32>,
        tpu.vector_store_idx %arg19[%add3A_241, %add3A_12], %add3A_295 : memref<512x8xf32, #tpu.memory_space<vmem>>[vector<16xi32>, vector<16xi32>], vector<16xf32>,
      }
      %scan3A_166 = arith.constant 32 : i32
      "tpu.region"() ({
        %run_scoped3A = tpu.sem_alloc : memref<!tpu.dma_semaphore, #tpu.memory_space<semaphore_mem>>
        %dma_start3A_237 = arith.constant 0 : i32
        %dma_start3A_238 = arith.constant 0 : i32
        %dma_start3A_239 = tpu.memref_slice %arg20[%dma_start3A_237, %dma_start3A_238] : memref<100352x8xf32, #tpu.memory_space<vmem_shared>> -> memref<100352x8xf32, #tpu.memory_space<vmem_shared>>
        tpu.enqueue_indirect_dma source(%arg19 : memref<512x8xf32, #tpu.memory_space<vmem>>) target(%dma_start3A_239 : memref<100352x8xf32, #tpu.memory_space<vmem_shared>>) offsets(%arg8 : memref<512xi32, #tpu.memory_space<vmem>>) semaphore(%run_scoped3A : memref<!tpu.dma_semaphore, #tpu.memory_space<semaphore_mem>>) {add = true}
        %dma_wait3A_240 = arith.constant 0 : i32
        %dma_wait3A_241 = arith.constant 0 : i32
        %dma_wait3A_242 = tpu.memref_slice %arg20[%dma_wait3A_240, %dma_wait3A_241] : memref<100352x8xf32, #tpu.memory_space<vmem_shared>> -> memref<100352x8xf32, #tpu.memory_space<vmem_shared>>
        tpu.wait_indirect_dma semaphore(%run_scoped3A : memref<!tpu.dma_semaphore, #tpu.memory_space<semaphore_mem>>) src(%arg19 : memref<512x8xf32, #tpu.memory_space<vmem>>) dst(%dma_wait3A_242 : memref<100352x8xf32, #tpu.memory_space<vmem_shared>>)
        tpu.yield
      }) : () -> ()
      %add3A_167 = arith.constant 4 : i32
      %add3A_168 = arith.addi %add3A_154, %add3A_167 : i32
      %lt3A_169 = arith.constant 400 : i32
      %lt3A_170 = arith.cmpi slt, %add3A_168, %lt3A_169 : i32
      %convert_element_type3A_171 = arith.extui %lt3A_170 : i1 to i32
      %cond3A_172 = arith.constant 0 : i32
      %cond3A_173 = arith.cmpi ne, %convert_element_type3A_171, %cond3A_172 : i32
      scf.if %cond3A_173 {
        %add3A_237 = arith.constant 4 : i32
        %add3A_238 = arith.addi %add3A_154, %add3A_237 : i32
        %dma_start3A_239 = arith.constant 0 : i32
        %dma_start3A_240 = tpu.memref_slice %arg2[%add3A, %add3A_238, %dma_start3A_239] : memref<32x400x512xi32, #tpu.memory_space<hbm>> -> memref<1x1x512xi32, #tpu.memory_space<hbm>>
        %dma_start3A_241 = tpu.memref_squeeze %dma_start3A_240 : memref<1x1x512xi32, #tpu.memory_space<hbm>> -> memref<512xi32, #tpu.memory_space<hbm>>
        %dma_start3A_242 = arith.constant 0 : i32
        %dma_start3A_243 = tpu.memref_slice %arg2[%add3A, %add3A_238, %dma_start3A_242] : memref<32x400x512xi32, #tpu.memory_space<hbm>> -> memref<1x1x512xi32, #tpu.memory_space<hbm>>
        %dma_start3A_244 = tpu.memref_squeeze %dma_start3A_243 : memref<1x1x512xi32, #tpu.memory_space<hbm>> -> memref<512xi32, #tpu.memory_space<hbm>>
        tpu.enqueue_dma source(%dma_start3A_244 : memref<512xi32, #tpu.memory_space<hbm>>) target(%arg8 : memref<512xi32, #tpu.memory_space<vmem>>) target_semaphore(%arg23 : memref<!tpu.dma_semaphore, #tpu.memory_space<semaphore_mem>>)
        %dma_start3A_245 = arith.constant 0 : i32
        %dma_start3A_246 = tpu.memref_slice %arg3[%add3A, %add3A_238, %dma_start3A_245] : memref<32x400x512xi32, #tpu.memory_space<hbm>> -> memref<1x1x512xi32, #tpu.memory_space<hbm>>
        %dma_start3A_247 = tpu.memref_squeeze %dma_start3A_246 : memref<1x1x512xi32, #tpu.memory_space<hbm>> -> memref<512xi32, #tpu.memory_space<hbm>>
        %dma_start3A_248 = arith.constant 0 : i32
        %dma_start3A_249 = tpu.memref_slice %arg3[%add3A, %add3A_238, %dma_start3A_248] : memref<32x400x512xi32, #tpu.memory_space<hbm>> -> memref<1x1x512xi32, #tpu.memory_space<hbm>>
        %dma_start3A_250 = tpu.memref_squeeze %dma_start3A_249 : memref<1x1x512xi32, #tpu.memory_space<hbm>> -> memref<512xi32, #tpu.memory_space<hbm>>
        tpu.enqueue_dma source(%dma_start3A_250 : memref<512xi32, #tpu.memory_space<hbm>>) target(%arg12 : memref<512xi32, #tpu.memory_space<vmem>>) target_semaphore(%arg23 : memref<!tpu.dma_semaphore, #tpu.memory_space<semaphore_mem>>)
      } else {
      }
      %add3A_174 = arith.constant 2 : i32
      %add3A_175 = arith.addi %add3A_154, %add3A_174 : i32
      %lt3A_176 = arith.constant 400 : i32
      %lt3A_177 = arith.cmpi slt, %add3A_175, %lt3A_176 : i32
      %convert_element_type3A_178 = arith.extui %lt3A_177 : i1 to i32
      %cond3A_179 = arith.constant 0 : i32
      %cond3A_180 = arith.cmpi ne, %convert_element_type3A_178, %cond3A_179 : i32
      scf.if %cond3A_180 {
        %dma_wait3A_237 = arith.constant 0 : i32
        %dma_wait3A_238 = arith.constant 0 : i32
        %dma_wait3A_239 = tpu.memref_slice %arg2[%add3A, %dma_wait3A_237, %dma_wait3A_238] : memref<32x400x512xi32, #tpu.memory_space<hbm>> -> memref<1x1x512xi32, #tpu.memory_space<hbm>>
        %dma_wait3A_240 = tpu.memref_squeeze %dma_wait3A_239 : memref<1x1x512xi32, #tpu.memory_space<hbm>> -> memref<512xi32, #tpu.memory_space<hbm>>
        %dma_wait3A_241 = arith.constant 0 : i32
        %dma_wait3A_242 = tpu.memref_slice %arg2[%add3A, %dma_wait3A_237, %dma_wait3A_241] : memref<32x400x512xi32, #tpu.memory_space<hbm>> -> memref<1x1x512xi32, #tpu.memory_space<hbm>>
        %dma_wait3A_243 = tpu.memref_squeeze %dma_wait3A_242 : memref<1x1x512xi32, #tpu.memory_space<hbm>> -> memref<512xi32, #tpu.memory_space<hbm>>
        tpu.wait_dma2 semaphore(%arg25 : memref<!tpu.dma_semaphore, #tpu.memory_space<semaphore_mem>>) src(%dma_wait3A_243 : memref<512xi32, #tpu.memory_space<hbm>>) dst(%arg10 : memref<512xi32, #tpu.memory_space<vmem>>)
        %dma_wait3A_244 = arith.constant 0 : i32
        %dma_wait3A_245 = arith.constant 0 : i32
        %dma_wait3A_246 = tpu.memref_slice %arg3[%add3A, %dma_wait3A_244, %dma_wait3A_245] : memref<32x400x512xi32, #tpu.memory_space<hbm>> -> memref<1x1x512xi32, #tpu.memory_space<hbm>>
        %dma_wait3A_247 = tpu.memref_squeeze %dma_wait3A_246 : memref<1x1x512xi32, #tpu.memory_space<hbm>> -> memref<512xi32, #tpu.memory_space<hbm>>
        %dma_wait3A_248 = arith.constant 0 : i32
        %dma_wait3A_249 = tpu.memref_slice %arg3[%add3A, %dma_wait3A_244, %dma_wait3A_248] : memref<32x400x512xi32, #tpu.memory_space<hbm>> -> memref<1x1x512xi32, #tpu.memory_space<hbm>>
        %dma_wait3A_250 = tpu.memref_squeeze %dma_wait3A_249 : memref<1x1x512xi32, #tpu.memory_space<hbm>> -> memref<512xi32, #tpu.memory_space<hbm>>
        tpu.wait_dma2 semaphore(%arg25 : memref<!tpu.dma_semaphore, #tpu.memory_space<semaphore_mem>>) src(%dma_wait3A_250 : memref<512xi32, #tpu.memory_space<hbm>>) dst(%arg14 : memref<512xi32, #tpu.memory_space<vmem>>)
        %dma_start3A_251 = arith.constant 0 : i32
        %dma_start3A_252 = arith.constant 0 : i32
        %dma_start3A_253 = tpu.memref_slice %arg21[%dma_start3A_251, %dma_start3A_252] : memref<100352x8xf32, #tpu.memory_space<vmem_shared>> -> memref<100352x8xf32, #tpu.memory_space<vmem_shared>>
        tpu.enqueue_indirect_dma source(%dma_start3A_253 : memref<100352x8xf32, #tpu.memory_space<vmem_shared>>) target(%arg16 : memref<512x8xf32, #tpu.memory_space<vmem>>) offsets(%arg10 : memref<512xi32, #tpu.memory_space<vmem>>) semaphore(%arg27 : memref<!tpu.dma_semaphore, #tpu.memory_space<semaphore_mem>>)
        %dma_start3A_254 = arith.constant 0 : i32
        %dma_start3A_255 = arith.constant 0 : i32
        %dma_start3A_256 = tpu.memref_slice %arg21[%dma_start3A_254, %dma_start3A_255] : memref<100352x8xf32, #tpu.memory_space<vmem_shared>> -> memref<100352x8xf32, #tpu.memory_space<vmem_shared>>
        tpu.enqueue_indirect_dma source(%dma_start3A_256 : memref<100352x8xf32, #tpu.memory_space<vmem_shared>>) target(%arg18 : memref<512x8xf32, #tpu.memory_space<vmem>>) offsets(%arg14 : memref<512xi32, #tpu.memory_space<vmem>>) semaphore(%arg27 : memref<!tpu.dma_semaphore, #tpu.memory_space<semaphore_mem>>)
      } else {
      }
      %add3A_181 = arith.constant 2 : i32
      %add3A_182 = arith.addi %mul3A_127, %add3A_181 : i32
      %dma_wait3A_183 = arith.constant 0 : i32
      %dma_wait3A_184 = arith.constant 0 : i32
      %dma_wait3A_185 = tpu.memref_slice %arg21[%dma_wait3A_183, %dma_wait3A_184] : memref<100352x8xf32, #tpu.memory_space<vmem_shared>> -> memref<100352x8xf32, #tpu.memory_space<vmem_shared>>
      tpu.wait_indirect_dma semaphore(%arg26 : memref<!tpu.dma_semaphore, #tpu.memory_space<semaphore_mem>>) src(%dma_wait3A_185 : memref<100352x8xf32, #tpu.memory_space<vmem_shared>>) dst(%arg15 : memref<512x8xf32, #tpu.memory_space<vmem>>)
      %dma_wait3A_186 = arith.constant 0 : i32
      %dma_wait3A_187 = arith.constant 0 : i32
      %dma_wait3A_188 = tpu.memref_slice %arg21[%dma_wait3A_186, %dma_wait3A_187] : memref<100352x8xf32, #tpu.memory_space<vmem_shared>> -> memref<100352x8xf32, #tpu.memory_space<vmem_shared>>
      tpu.wait_indirect_dma semaphore(%arg26 : memref<!tpu.dma_semaphore, #tpu.memory_space<semaphore_mem>>) src(%dma_wait3A_188 : memref<100352x8xf32, #tpu.memory_space<vmem_shared>>) dst(%arg17 : memref<512x8xf32, #tpu.memory_space<vmem>>)
      %scan3A_189 = arith.constant 0 : i32
      %scan3A_190 = arith.constant 0 : i32
      %scan3A_191 = arith.constant 32 : i32
      %scan3A_192 = arith.addi %scan3A_190, %scan3A_191 : i32
      %scan3A_193 = arith.constant 1 : i32
      scf.for %scan3A_237 = %scan3A_190 to %scan3A_192 step %scan3A_193  : i32 {
        %mul3A_238 = arith.constant 16 : i32
        %mul3A_239 = arith.muli %scan3A_237, %mul3A_238 : i32
        %add3A_240 = vector.broadcast %mul3A_239 : i32 to vector<16xi32>
        %add3A_241 = arith.addi %add3A_240, %iota3A : vector<16xi32>
        %gather3A = tpu.vector_load_idx %arg9[%add3A_241] : memref<512xi32, #tpu.memory_space<vmem>>[vector<16xi32>], vector<16xi32>,
        %gather3A_242 = tpu.vector_load_idx %arg13[%add3A_241] : memref<512xi32, #tpu.memory_space<vmem>>[vector<16xi32>], vector<16xi32>,
        %gather3A_243 = tpu.vector_load_idx %arg15[%add3A_241, %broadcast_in_dim3A_9] : memref<512x8xf32, #tpu.memory_space<vmem>>[vector<16xi32>, vector<16xi32>], vector<16xf32>,
        %gather3A_244 = tpu.vector_load_idx %arg15[%add3A_241, %add3A_12] : memref<512x8xf32, #tpu.memory_space<vmem>>[vector<16xi32>, vector<16xi32>], vector<16xf32>,
        %add3A_245 = arith.constant 2 : i32
        %add3A_246 = vector.broadcast %add3A_245 : i32 to vector<16xi32>
        %add3A_247 = arith.addi %broadcast_in_dim3A_9, %add3A_246 : vector<16xi32>
        %gather3A_248 = tpu.vector_load_idx %arg15[%add3A_241, %add3A_247] : memref<512x8xf32, #tpu.memory_space<vmem>>[vector<16xi32>, vector<16xi32>], vector<16xf32>,
        %add3A_249 = arith.constant 3 : i32
        %add3A_250 = vector.broadcast %add3A_249 : i32 to vector<16xi32>
        %add3A_251 = arith.addi %broadcast_in_dim3A_9, %add3A_250 : vector<16xi32>
        %gather3A_252 = tpu.vector_load_idx %arg15[%add3A_241, %add3A_251] : memref<512x8xf32, #tpu.memory_space<vmem>>[vector<16xi32>, vector<16xi32>], vector<16xf32>,
        %add3A_253 = arith.constant 4 : i32
        %add3A_254 = vector.broadcast %add3A_253 : i32 to vector<16xi32>
        %add3A_255 = arith.addi %broadcast_in_dim3A_9, %add3A_254 : vector<16xi32>
        %gather3A_256 = tpu.vector_load_idx %arg15[%add3A_241, %add3A_255] : memref<512x8xf32, #tpu.memory_space<vmem>>[vector<16xi32>, vector<16xi32>], vector<16xf32>,
        %add3A_257 = arith.constant 5 : i32
        %add3A_258 = vector.broadcast %add3A_257 : i32 to vector<16xi32>
        %add3A_259 = arith.addi %broadcast_in_dim3A_9, %add3A_258 : vector<16xi32>
        %gather3A_260 = tpu.vector_load_idx %arg15[%add3A_241, %add3A_259] : memref<512x8xf32, #tpu.memory_space<vmem>>[vector<16xi32>, vector<16xi32>], vector<16xf32>,
        %add3A_261 = arith.constant 6 : i32
        %add3A_262 = vector.broadcast %add3A_261 : i32 to vector<16xi32>
        %add3A_263 = arith.addi %broadcast_in_dim3A_9, %add3A_262 : vector<16xi32>
        %gather3A_264 = tpu.vector_load_idx %arg15[%add3A_241, %add3A_263] : memref<512x8xf32, #tpu.memory_space<vmem>>[vector<16xi32>, vector<16xi32>], vector<16xf32>,
        %gather3A_265 = tpu.vector_load_idx %arg17[%add3A_241, %broadcast_in_dim3A_9] : memref<512x8xf32, #tpu.memory_space<vmem>>[vector<16xi32>, vector<16xi32>], vector<16xf32>,
        %gather3A_266 = tpu.vector_load_idx %arg17[%add3A_241, %add3A_12] : memref<512x8xf32, #tpu.memory_space<vmem>>[vector<16xi32>, vector<16xi32>], vector<16xf32>,
        %add3A_267 = arith.constant 2 : i32
        %add3A_268 = vector.broadcast %add3A_267 : i32 to vector<16xi32>
        %add3A_269 = arith.addi %broadcast_in_dim3A_9, %add3A_268 : vector<16xi32>
        %gather3A_270 = tpu.vector_load_idx %arg17[%add3A_241, %add3A_269] : memref<512x8xf32, #tpu.memory_space<vmem>>[vector<16xi32>, vector<16xi32>], vector<16xf32>,
        %add3A_271 = arith.constant 3 : i32
        %add3A_272 = vector.broadcast %add3A_271 : i32 to vector<16xi32>
        %add3A_273 = arith.addi %broadcast_in_dim3A_9, %add3A_272 : vector<16xi32>
        %gather3A_274 = tpu.vector_load_idx %arg17[%add3A_241, %add3A_273] : memref<512x8xf32, #tpu.memory_space<vmem>>[vector<16xi32>, vector<16xi32>], vector<16xf32>,
        %sub3A = arith.subf %gather3A_265, %gather3A_243 : vector<16xf32>
        %sub3A_275 = arith.subf %gather3A_266, %gather3A_244 : vector<16xf32>
        %mul3A_276 = arith.mulf %sub3A, %sub3A : vector<16xf32>
        %mul3A_277 = arith.mulf %sub3A_275, %sub3A_275 : vector<16xf32>
        %add3A_278 = arith.addf %mul3A_276, %mul3A_277 : vector<16xf32>
        %ne3A = arith.cmpi ne, %gather3A, %gather3A_242 : vector<16xi32>
        %jit3A = arith.constant 1.000000e+00 : f32
        %broadcast_in_dim3A_279 = vector.broadcast %jit3A : f32 to vector<16xf32>
        %select_n3A = arith.select %ne3A, %add3A_278, %broadcast_in_dim3A_279 : vector<16xi1>, vector<16xf32>
        %div3A = arith.divf %gather3A_264, %select_n3A : vector<16xf32>
        %jit3A_280 = arith.constant 1.000000e+00 : f32
        %jit3A_281 = arith.constant 0.000000e+00 : f32
        %broadcast_in_dim3A_282 = vector.broadcast %jit3A_280 : f32 to vector<16xf32>
        %broadcast_in_dim3A_283 = vector.broadcast %jit3A_281 : f32 to vector<16xf32>
        %select_n3A_284 = arith.select %ne3A, %broadcast_in_dim3A_282, %broadcast_in_dim3A_283 : vector<16xi1>, vector<16xf32>
        %sub3A_285 = arith.subf %gather3A_256, %div3A : vector<16xf32>
        %mul3A_286 = arith.mulf %sub3A_285, %select_n3A_284 : vector<16xf32>
        %mul3A_287 = arith.mulf %gather3A_260, %select_n3A_284 : vector<16xf32>
        %mul3A_288 = arith.mulf %mul3A_286, %sub3A : vector<16xf32>
        %sub3A_289 = arith.subf %gather3A_270, %gather3A_248 : vector<16xf32>
        %mul3A_290 = arith.mulf %mul3A_287, %sub3A_289 : vector<16xf32>
        %add3A_291 = arith.addf %mul3A_288, %mul3A_290 : vector<16xf32>
        %mul3A_292 = arith.mulf %mul3A_286, %sub3A_275 : vector<16xf32>
        %sub3A_293 = arith.subf %gather3A_274, %gather3A_252 : vector<16xf32>
        %mul3A_294 = arith.mulf %mul3A_287, %sub3A_293 : vector<16xf32>
        %add3A_295 = arith.addf %mul3A_292, %mul3A_294 : vector<16xf32>
        tpu.vector_store_idx %arg19[%add3A_241, %broadcast_in_dim3A_9], %add3A_291 : memref<512x8xf32, #tpu.memory_space<vmem>>[vector<16xi32>, vector<16xi32>], vector<16xf32>,
        tpu.vector_store_idx %arg19[%add3A_241, %add3A_12], %add3A_295 : memref<512x8xf32, #tpu.memory_space<vmem>>[vector<16xi32>, vector<16xi32>], vector<16xf32>,
      }
      %scan3A_194 = arith.constant 32 : i32
      "tpu.region"() ({
        %run_scoped3A = tpu.sem_alloc : memref<!tpu.dma_semaphore, #tpu.memory_space<semaphore_mem>>
        %dma_start3A_237 = arith.constant 0 : i32
        %dma_start3A_238 = arith.constant 0 : i32
        %dma_start3A_239 = tpu.memref_slice %arg20[%dma_start3A_237, %dma_start3A_238] : memref<100352x8xf32, #tpu.memory_space<vmem_shared>> -> memref<100352x8xf32, #tpu.memory_space<vmem_shared>>
        tpu.enqueue_indirect_dma source(%arg19 : memref<512x8xf32, #tpu.memory_space<vmem>>) target(%dma_start3A_239 : memref<100352x8xf32, #tpu.memory_space<vmem_shared>>) offsets(%arg9 : memref<512xi32, #tpu.memory_space<vmem>>) semaphore(%run_scoped3A : memref<!tpu.dma_semaphore, #tpu.memory_space<semaphore_mem>>) {add = true}
        %dma_wait3A_240 = arith.constant 0 : i32
        %dma_wait3A_241 = arith.constant 0 : i32
        %dma_wait3A_242 = tpu.memref_slice %arg20[%dma_wait3A_240, %dma_wait3A_241] : memref<100352x8xf32, #tpu.memory_space<vmem_shared>> -> memref<100352x8xf32, #tpu.memory_space<vmem_shared>>
        tpu.wait_indirect_dma semaphore(%run_scoped3A : memref<!tpu.dma_semaphore, #tpu.memory_space<semaphore_mem>>) src(%arg19 : memref<512x8xf32, #tpu.memory_space<vmem>>) dst(%dma_wait3A_242 : memref<100352x8xf32, #tpu.memory_space<vmem_shared>>)
        tpu.yield
      }) : () -> ()
      %add3A_195 = arith.constant 4 : i32
      %add3A_196 = arith.addi %add3A_182, %add3A_195 : i32
      %lt3A_197 = arith.constant 400 : i32
      %lt3A_198 = arith.cmpi slt, %add3A_196, %lt3A_197 : i32
      %convert_element_type3A_199 = arith.extui %lt3A_198 : i1 to i32
      %cond3A_200 = arith.constant 0 : i32
      %cond3A_201 = arith.cmpi ne, %convert_element_type3A_199, %cond3A_200 : i32
      scf.if %cond3A_201 {
        %add3A_237 = arith.constant 4 : i32
        %add3A_238 = arith.addi %add3A_182, %add3A_237 : i32
        %dma_start3A_239 = arith.constant 0 : i32
        %dma_start3A_240 = tpu.memref_slice %arg2[%add3A, %add3A_238, %dma_start3A_239] : memref<32x400x512xi32, #tpu.memory_space<hbm>> -> memref<1x1x512xi32, #tpu.memory_space<hbm>>
        %dma_start3A_241 = tpu.memref_squeeze %dma_start3A_240 : memref<1x1x512xi32, #tpu.memory_space<hbm>> -> memref<512xi32, #tpu.memory_space<hbm>>
        %dma_start3A_242 = arith.constant 0 : i32
        %dma_start3A_243 = tpu.memref_slice %arg2[%add3A, %add3A_238, %dma_start3A_242] : memref<32x400x512xi32, #tpu.memory_space<hbm>> -> memref<1x1x512xi32, #tpu.memory_space<hbm>>
        %dma_start3A_244 = tpu.memref_squeeze %dma_start3A_243 : memref<1x1x512xi32, #tpu.memory_space<hbm>> -> memref<512xi32, #tpu.memory_space<hbm>>
        tpu.enqueue_dma source(%dma_start3A_244 : memref<512xi32, #tpu.memory_space<hbm>>) target(%arg9 : memref<512xi32, #tpu.memory_space<vmem>>) target_semaphore(%arg24 : memref<!tpu.dma_semaphore, #tpu.memory_space<semaphore_mem>>)
        %dma_start3A_245 = arith.constant 0 : i32
        %dma_start3A_246 = tpu.memref_slice %arg3[%add3A, %add3A_238, %dma_start3A_245] : memref<32x400x512xi32, #tpu.memory_space<hbm>> -> memref<1x1x512xi32, #tpu.memory_space<hbm>>
        %dma_start3A_247 = tpu.memref_squeeze %dma_start3A_246 : memref<1x1x512xi32, #tpu.memory_space<hbm>> -> memref<512xi32, #tpu.memory_space<hbm>>
        %dma_start3A_248 = arith.constant 0 : i32
        %dma_start3A_249 = tpu.memref_slice %arg3[%add3A, %add3A_238, %dma_start3A_248] : memref<32x400x512xi32, #tpu.memory_space<hbm>> -> memref<1x1x512xi32, #tpu.memory_space<hbm>>
        %dma_start3A_250 = tpu.memref_squeeze %dma_start3A_249 : memref<1x1x512xi32, #tpu.memory_space<hbm>> -> memref<512xi32, #tpu.memory_space<hbm>>
        tpu.enqueue_dma source(%dma_start3A_250 : memref<512xi32, #tpu.memory_space<hbm>>) target(%arg13 : memref<512xi32, #tpu.memory_space<vmem>>) target_semaphore(%arg24 : memref<!tpu.dma_semaphore, #tpu.memory_space<semaphore_mem>>)
      } else {
      }
      %add3A_202 = arith.constant 2 : i32
      %add3A_203 = arith.addi %add3A_182, %add3A_202 : i32
      %lt3A_204 = arith.constant 400 : i32
      %lt3A_205 = arith.cmpi slt, %add3A_203, %lt3A_204 : i32
      %convert_element_type3A_206 = arith.extui %lt3A_205 : i1 to i32
      %cond3A_207 = arith.constant 0 : i32
      %cond3A_208 = arith.cmpi ne, %convert_element_type3A_206, %cond3A_207 : i32
      scf.if %cond3A_208 {
        %dma_wait3A_237 = arith.constant 0 : i32
        %dma_wait3A_238 = arith.constant 0 : i32
        %dma_wait3A_239 = tpu.memref_slice %arg2[%add3A, %dma_wait3A_237, %dma_wait3A_238] : memref<32x400x512xi32, #tpu.memory_space<hbm>> -> memref<1x1x512xi32, #tpu.memory_space<hbm>>
        %dma_wait3A_240 = tpu.memref_squeeze %dma_wait3A_239 : memref<1x1x512xi32, #tpu.memory_space<hbm>> -> memref<512xi32, #tpu.memory_space<hbm>>
        %dma_wait3A_241 = arith.constant 0 : i32
        %dma_wait3A_242 = tpu.memref_slice %arg2[%add3A, %dma_wait3A_237, %dma_wait3A_241] : memref<32x400x512xi32, #tpu.memory_space<hbm>> -> memref<1x1x512xi32, #tpu.memory_space<hbm>>
        %dma_wait3A_243 = tpu.memref_squeeze %dma_wait3A_242 : memref<1x1x512xi32, #tpu.memory_space<hbm>> -> memref<512xi32, #tpu.memory_space<hbm>>
        tpu.wait_dma2 semaphore(%arg22 : memref<!tpu.dma_semaphore, #tpu.memory_space<semaphore_mem>>) src(%dma_wait3A_243 : memref<512xi32, #tpu.memory_space<hbm>>) dst(%arg7 : memref<512xi32, #tpu.memory_space<vmem>>)
        %dma_wait3A_244 = arith.constant 0 : i32
        %dma_wait3A_245 = arith.constant 0 : i32
        %dma_wait3A_246 = tpu.memref_slice %arg3[%add3A, %dma_wait3A_244, %dma_wait3A_245] : memref<32x400x512xi32, #tpu.memory_space<hbm>> -> memref<1x1x512xi32, #tpu.memory_space<hbm>>
        %dma_wait3A_247 = tpu.memref_squeeze %dma_wait3A_246 : memref<1x1x512xi32, #tpu.memory_space<hbm>> -> memref<512xi32, #tpu.memory_space<hbm>>
        %dma_wait3A_248 = arith.constant 0 : i32
        %dma_wait3A_249 = tpu.memref_slice %arg3[%add3A, %dma_wait3A_244, %dma_wait3A_248] : memref<32x400x512xi32, #tpu.memory_space<hbm>> -> memref<1x1x512xi32, #tpu.memory_space<hbm>>
        %dma_wait3A_250 = tpu.memref_squeeze %dma_wait3A_249 : memref<1x1x512xi32, #tpu.memory_space<hbm>> -> memref<512xi32, #tpu.memory_space<hbm>>
        tpu.wait_dma2 semaphore(%arg22 : memref<!tpu.dma_semaphore, #tpu.memory_space<semaphore_mem>>) src(%dma_wait3A_250 : memref<512xi32, #tpu.memory_space<hbm>>) dst(%arg11 : memref<512xi32, #tpu.memory_space<vmem>>)
        %dma_start3A_251 = arith.constant 0 : i32
        %dma_start3A_252 = arith.constant 0 : i32
        %dma_start3A_253 = tpu.memref_slice %arg21[%dma_start3A_251, %dma_start3A_252] : memref<100352x8xf32, #tpu.memory_space<vmem_shared>> -> memref<100352x8xf32, #tpu.memory_space<vmem_shared>>
        tpu.enqueue_indirect_dma source(%dma_start3A_253 : memref<100352x8xf32, #tpu.memory_space<vmem_shared>>) target(%arg15 : memref<512x8xf32, #tpu.memory_space<vmem>>) offsets(%arg7 : memref<512xi32, #tpu.memory_space<vmem>>) semaphore(%arg26 : memref<!tpu.dma_semaphore, #tpu.memory_space<semaphore_mem>>)
        %dma_start3A_254 = arith.constant 0 : i32
        %dma_start3A_255 = arith.constant 0 : i32
        %dma_start3A_256 = tpu.memref_slice %arg21[%dma_start3A_254, %dma_start3A_255] : memref<100352x8xf32, #tpu.memory_space<vmem_shared>> -> memref<100352x8xf32, #tpu.memory_space<vmem_shared>>
        tpu.enqueue_indirect_dma source(%dma_start3A_256 : memref<100352x8xf32, #tpu.memory_space<vmem_shared>>) target(%arg17 : memref<512x8xf32, #tpu.memory_space<vmem>>) offsets(%arg11 : memref<512xi32, #tpu.memory_space<vmem>>) semaphore(%arg26 : memref<!tpu.dma_semaphore, #tpu.memory_space<semaphore_mem>>)
      } else {
      }
      %add3A_209 = arith.constant 3 : i32
      %add3A_210 = arith.addi %mul3A_127, %add3A_209 : i32
      %dma_wait3A_211 = arith.constant 0 : i32
      %dma_wait3A_212 = arith.constant 0 : i32
      %dma_wait3A_213 = tpu.memref_slice %arg21[%dma_wait3A_211, %dma_wait3A_212] : memref<100352x8xf32, #tpu.memory_space<vmem_shared>> -> memref<100352x8xf32, #tpu.memory_space<vmem_shared>>
      tpu.wait_indirect_dma semaphore(%arg27 : memref<!tpu.dma_semaphore, #tpu.memory_space<semaphore_mem>>) src(%dma_wait3A_213 : memref<100352x8xf32, #tpu.memory_space<vmem_shared>>) dst(%arg16 : memref<512x8xf32, #tpu.memory_space<vmem>>)
      %dma_wait3A_214 = arith.constant 0 : i32
      %dma_wait3A_215 = arith.constant 0 : i32
      %dma_wait3A_216 = tpu.memref_slice %arg21[%dma_wait3A_214, %dma_wait3A_215] : memref<100352x8xf32, #tpu.memory_space<vmem_shared>> -> memref<100352x8xf32, #tpu.memory_space<vmem_shared>>
      tpu.wait_indirect_dma semaphore(%arg27 : memref<!tpu.dma_semaphore, #tpu.memory_space<semaphore_mem>>) src(%dma_wait3A_216 : memref<100352x8xf32, #tpu.memory_space<vmem_shared>>) dst(%arg18 : memref<512x8xf32, #tpu.memory_space<vmem>>)
      %scan3A_217 = arith.constant 0 : i32
      %scan3A_218 = arith.constant 0 : i32
      %scan3A_219 = arith.constant 32 : i32
      %scan3A_220 = arith.addi %scan3A_218, %scan3A_219 : i32
      %scan3A_221 = arith.constant 1 : i32
      scf.for %scan3A_237 = %scan3A_218 to %scan3A_220 step %scan3A_221  : i32 {
        %mul3A_238 = arith.constant 16 : i32
        %mul3A_239 = arith.muli %scan3A_237, %mul3A_238 : i32
        %add3A_240 = vector.broadcast %mul3A_239 : i32 to vector<16xi32>
        %add3A_241 = arith.addi %add3A_240, %iota3A : vector<16xi32>
        %gather3A = tpu.vector_load_idx %arg10[%add3A_241] : memref<512xi32, #tpu.memory_space<vmem>>[vector<16xi32>], vector<16xi32>,
        %gather3A_242 = tpu.vector_load_idx %arg14[%add3A_241] : memref<512xi32, #tpu.memory_space<vmem>>[vector<16xi32>], vector<16xi32>,
        %gather3A_243 = tpu.vector_load_idx %arg16[%add3A_241, %broadcast_in_dim3A_9] : memref<512x8xf32, #tpu.memory_space<vmem>>[vector<16xi32>, vector<16xi32>], vector<16xf32>,
        %gather3A_244 = tpu.vector_load_idx %arg16[%add3A_241, %add3A_12] : memref<512x8xf32, #tpu.memory_space<vmem>>[vector<16xi32>, vector<16xi32>], vector<16xf32>,
        %add3A_245 = arith.constant 2 : i32
        %add3A_246 = vector.broadcast %add3A_245 : i32 to vector<16xi32>
        %add3A_247 = arith.addi %broadcast_in_dim3A_9, %add3A_246 : vector<16xi32>
        %gather3A_248 = tpu.vector_load_idx %arg16[%add3A_241, %add3A_247] : memref<512x8xf32, #tpu.memory_space<vmem>>[vector<16xi32>, vector<16xi32>], vector<16xf32>,
        %add3A_249 = arith.constant 3 : i32
        %add3A_250 = vector.broadcast %add3A_249 : i32 to vector<16xi32>
        %add3A_251 = arith.addi %broadcast_in_dim3A_9, %add3A_250 : vector<16xi32>
        %gather3A_252 = tpu.vector_load_idx %arg16[%add3A_241, %add3A_251] : memref<512x8xf32, #tpu.memory_space<vmem>>[vector<16xi32>, vector<16xi32>], vector<16xf32>,
        %add3A_253 = arith.constant 4 : i32
        %add3A_254 = vector.broadcast %add3A_253 : i32 to vector<16xi32>
        %add3A_255 = arith.addi %broadcast_in_dim3A_9, %add3A_254 : vector<16xi32>
        %gather3A_256 = tpu.vector_load_idx %arg16[%add3A_241, %add3A_255] : memref<512x8xf32, #tpu.memory_space<vmem>>[vector<16xi32>, vector<16xi32>], vector<16xf32>,
        %add3A_257 = arith.constant 5 : i32
        %add3A_258 = vector.broadcast %add3A_257 : i32 to vector<16xi32>
        %add3A_259 = arith.addi %broadcast_in_dim3A_9, %add3A_258 : vector<16xi32>
        %gather3A_260 = tpu.vector_load_idx %arg16[%add3A_241, %add3A_259] : memref<512x8xf32, #tpu.memory_space<vmem>>[vector<16xi32>, vector<16xi32>], vector<16xf32>,
        %add3A_261 = arith.constant 6 : i32
        %add3A_262 = vector.broadcast %add3A_261 : i32 to vector<16xi32>
        %add3A_263 = arith.addi %broadcast_in_dim3A_9, %add3A_262 : vector<16xi32>
        %gather3A_264 = tpu.vector_load_idx %arg16[%add3A_241, %add3A_263] : memref<512x8xf32, #tpu.memory_space<vmem>>[vector<16xi32>, vector<16xi32>], vector<16xf32>,
        %gather3A_265 = tpu.vector_load_idx %arg18[%add3A_241, %broadcast_in_dim3A_9] : memref<512x8xf32, #tpu.memory_space<vmem>>[vector<16xi32>, vector<16xi32>], vector<16xf32>,
        %gather3A_266 = tpu.vector_load_idx %arg18[%add3A_241, %add3A_12] : memref<512x8xf32, #tpu.memory_space<vmem>>[vector<16xi32>, vector<16xi32>], vector<16xf32>,
        %add3A_267 = arith.constant 2 : i32
        %add3A_268 = vector.broadcast %add3A_267 : i32 to vector<16xi32>
        %add3A_269 = arith.addi %broadcast_in_dim3A_9, %add3A_268 : vector<16xi32>
        %gather3A_270 = tpu.vector_load_idx %arg18[%add3A_241, %add3A_269] : memref<512x8xf32, #tpu.memory_space<vmem>>[vector<16xi32>, vector<16xi32>], vector<16xf32>,
        %add3A_271 = arith.constant 3 : i32
        %add3A_272 = vector.broadcast %add3A_271 : i32 to vector<16xi32>
        %add3A_273 = arith.addi %broadcast_in_dim3A_9, %add3A_272 : vector<16xi32>
        %gather3A_274 = tpu.vector_load_idx %arg18[%add3A_241, %add3A_273] : memref<512x8xf32, #tpu.memory_space<vmem>>[vector<16xi32>, vector<16xi32>], vector<16xf32>,
        %sub3A = arith.subf %gather3A_265, %gather3A_243 : vector<16xf32>
        %sub3A_275 = arith.subf %gather3A_266, %gather3A_244 : vector<16xf32>
        %mul3A_276 = arith.mulf %sub3A, %sub3A : vector<16xf32>
        %mul3A_277 = arith.mulf %sub3A_275, %sub3A_275 : vector<16xf32>
        %add3A_278 = arith.addf %mul3A_276, %mul3A_277 : vector<16xf32>
        %ne3A = arith.cmpi ne, %gather3A, %gather3A_242 : vector<16xi32>
        %jit3A = arith.constant 1.000000e+00 : f32
        %broadcast_in_dim3A_279 = vector.broadcast %jit3A : f32 to vector<16xf32>
        %select_n3A = arith.select %ne3A, %add3A_278, %broadcast_in_dim3A_279 : vector<16xi1>, vector<16xf32>
        %div3A = arith.divf %gather3A_264, %select_n3A : vector<16xf32>
        %jit3A_280 = arith.constant 1.000000e+00 : f32
        %jit3A_281 = arith.constant 0.000000e+00 : f32
        %broadcast_in_dim3A_282 = vector.broadcast %jit3A_280 : f32 to vector<16xf32>
        %broadcast_in_dim3A_283 = vector.broadcast %jit3A_281 : f32 to vector<16xf32>
        %select_n3A_284 = arith.select %ne3A, %broadcast_in_dim3A_282, %broadcast_in_dim3A_283 : vector<16xi1>, vector<16xf32>
        %sub3A_285 = arith.subf %gather3A_256, %div3A : vector<16xf32>
        %mul3A_286 = arith.mulf %sub3A_285, %select_n3A_284 : vector<16xf32>
        %mul3A_287 = arith.mulf %gather3A_260, %select_n3A_284 : vector<16xf32>
        %mul3A_288 = arith.mulf %mul3A_286, %sub3A : vector<16xf32>
        %sub3A_289 = arith.subf %gather3A_270, %gather3A_248 : vector<16xf32>
        %mul3A_290 = arith.mulf %mul3A_287, %sub3A_289 : vector<16xf32>
        %add3A_291 = arith.addf %mul3A_288, %mul3A_290 : vector<16xf32>
        %mul3A_292 = arith.mulf %mul3A_286, %sub3A_275 : vector<16xf32>
        %sub3A_293 = arith.subf %gather3A_274, %gather3A_252 : vector<16xf32>
        %mul3A_294 = arith.mulf %mul3A_287, %sub3A_293 : vector<16xf32>
        %add3A_295 = arith.addf %mul3A_292, %mul3A_294 : vector<16xf32>
        tpu.vector_store_idx %arg19[%add3A_241, %broadcast_in_dim3A_9], %add3A_291 : memref<512x8xf32, #tpu.memory_space<vmem>>[vector<16xi32>, vector<16xi32>], vector<16xf32>,
        tpu.vector_store_idx %arg19[%add3A_241, %add3A_12], %add3A_295 : memref<512x8xf32, #tpu.memory_space<vmem>>[vector<16xi32>, vector<16xi32>], vector<16xf32>,
      }
      %scan3A_222 = arith.constant 32 : i32
      "tpu.region"() ({
        %run_scoped3A = tpu.sem_alloc : memref<!tpu.dma_semaphore, #tpu.memory_space<semaphore_mem>>
        %dma_start3A_237 = arith.constant 0 : i32
        %dma_start3A_238 = arith.constant 0 : i32
        %dma_start3A_239 = tpu.memref_slice %arg20[%dma_start3A_237, %dma_start3A_238] : memref<100352x8xf32, #tpu.memory_space<vmem_shared>> -> memref<100352x8xf32, #tpu.memory_space<vmem_shared>>
        tpu.enqueue_indirect_dma source(%arg19 : memref<512x8xf32, #tpu.memory_space<vmem>>) target(%dma_start3A_239 : memref<100352x8xf32, #tpu.memory_space<vmem_shared>>) offsets(%arg10 : memref<512xi32, #tpu.memory_space<vmem>>) semaphore(%run_scoped3A : memref<!tpu.dma_semaphore, #tpu.memory_space<semaphore_mem>>) {add = true}
        %dma_wait3A_240 = arith.constant 0 : i32
        %dma_wait3A_241 = arith.constant 0 : i32
        %dma_wait3A_242 = tpu.memref_slice %arg20[%dma_wait3A_240, %dma_wait3A_241] : memref<100352x8xf32, #tpu.memory_space<vmem_shared>> -> memref<100352x8xf32, #tpu.memory_space<vmem_shared>>
        tpu.wait_indirect_dma semaphore(%run_scoped3A : memref<!tpu.dma_semaphore, #tpu.memory_space<semaphore_mem>>) src(%arg19 : memref<512x8xf32, #tpu.memory_space<vmem>>) dst(%dma_wait3A_242 : memref<100352x8xf32, #tpu.memory_space<vmem_shared>>)
        tpu.yield
      }) : () -> ()
      %add3A_223 = arith.constant 4 : i32
      %add3A_224 = arith.addi %add3A_210, %add3A_223 : i32
      %lt3A_225 = arith.constant 400 : i32
      %lt3A_226 = arith.cmpi slt, %add3A_224, %lt3A_225 : i32
      %convert_element_type3A_227 = arith.extui %lt3A_226 : i1 to i32
      %cond3A_228 = arith.constant 0 : i32
      %cond3A_229 = arith.cmpi ne, %convert_element_type3A_227, %cond3A_228 : i32
      scf.if %cond3A_229 {
        %add3A_237 = arith.constant 4 : i32
        %add3A_238 = arith.addi %add3A_210, %add3A_237 : i32
        %dma_start3A_239 = arith.constant 0 : i32
        %dma_start3A_240 = tpu.memref_slice %arg2[%add3A, %add3A_238, %dma_start3A_239] : memref<32x400x512xi32, #tpu.memory_space<hbm>> -> memref<1x1x512xi32, #tpu.memory_space<hbm>>
        %dma_start3A_241 = tpu.memref_squeeze %dma_start3A_240 : memref<1x1x512xi32, #tpu.memory_space<hbm>> -> memref<512xi32, #tpu.memory_space<hbm>>
        %dma_start3A_242 = arith.constant 0 : i32
        %dma_start3A_243 = tpu.memref_slice %arg2[%add3A, %add3A_238, %dma_start3A_242] : memref<32x400x512xi32, #tpu.memory_space<hbm>> -> memref<1x1x512xi32, #tpu.memory_space<hbm>>
        %dma_start3A_244 = tpu.memref_squeeze %dma_start3A_243 : memref<1x1x512xi32, #tpu.memory_space<hbm>> -> memref<512xi32, #tpu.memory_space<hbm>>
        tpu.enqueue_dma source(%dma_start3A_244 : memref<512xi32, #tpu.memory_space<hbm>>) target(%arg10 : memref<512xi32, #tpu.memory_space<vmem>>) target_semaphore(%arg25 : memref<!tpu.dma_semaphore, #tpu.memory_space<semaphore_mem>>)
        %dma_start3A_245 = arith.constant 0 : i32
        %dma_start3A_246 = tpu.memref_slice %arg3[%add3A, %add3A_238, %dma_start3A_245] : memref<32x400x512xi32, #tpu.memory_space<hbm>> -> memref<1x1x512xi32, #tpu.memory_space<hbm>>
        %dma_start3A_247 = tpu.memref_squeeze %dma_start3A_246 : memref<1x1x512xi32, #tpu.memory_space<hbm>> -> memref<512xi32, #tpu.memory_space<hbm>>
        %dma_start3A_248 = arith.constant 0 : i32
        %dma_start3A_249 = tpu.memref_slice %arg3[%add3A, %add3A_238, %dma_start3A_248] : memref<32x400x512xi32, #tpu.memory_space<hbm>> -> memref<1x1x512xi32, #tpu.memory_space<hbm>>
        %dma_start3A_250 = tpu.memref_squeeze %dma_start3A_249 : memref<1x1x512xi32, #tpu.memory_space<hbm>> -> memref<512xi32, #tpu.memory_space<hbm>>
        tpu.enqueue_dma source(%dma_start3A_250 : memref<512xi32, #tpu.memory_space<hbm>>) target(%arg14 : memref<512xi32, #tpu.memory_space<vmem>>) target_semaphore(%arg25 : memref<!tpu.dma_semaphore, #tpu.memory_space<semaphore_mem>>)
      } else {
      }
      %add3A_230 = arith.constant 2 : i32
      %add3A_231 = arith.addi %add3A_210, %add3A_230 : i32
      %lt3A_232 = arith.constant 400 : i32
      %lt3A_233 = arith.cmpi slt, %add3A_231, %lt3A_232 : i32
      %convert_element_type3A_234 = arith.extui %lt3A_233 : i1 to i32
      %cond3A_235 = arith.constant 0 : i32
      %cond3A_236 = arith.cmpi ne, %convert_element_type3A_234, %cond3A_235 : i32
      scf.if %cond3A_236 {
        %dma_wait3A_237 = arith.constant 0 : i32
        %dma_wait3A_238 = arith.constant 0 : i32
        %dma_wait3A_239 = tpu.memref_slice %arg2[%add3A, %dma_wait3A_237, %dma_wait3A_238] : memref<32x400x512xi32, #tpu.memory_space<hbm>> -> memref<1x1x512xi32, #tpu.memory_space<hbm>>
        %dma_wait3A_240 = tpu.memref_squeeze %dma_wait3A_239 : memref<1x1x512xi32, #tpu.memory_space<hbm>> -> memref<512xi32, #tpu.memory_space<hbm>>
        %dma_wait3A_241 = arith.constant 0 : i32
        %dma_wait3A_242 = tpu.memref_slice %arg2[%add3A, %dma_wait3A_237, %dma_wait3A_241] : memref<32x400x512xi32, #tpu.memory_space<hbm>> -> memref<1x1x512xi32, #tpu.memory_space<hbm>>
        %dma_wait3A_243 = tpu.memref_squeeze %dma_wait3A_242 : memref<1x1x512xi32, #tpu.memory_space<hbm>> -> memref<512xi32, #tpu.memory_space<hbm>>
        tpu.wait_dma2 semaphore(%arg23 : memref<!tpu.dma_semaphore, #tpu.memory_space<semaphore_mem>>) src(%dma_wait3A_243 : memref<512xi32, #tpu.memory_space<hbm>>) dst(%arg8 : memref<512xi32, #tpu.memory_space<vmem>>)
        %dma_wait3A_244 = arith.constant 0 : i32
        %dma_wait3A_245 = arith.constant 0 : i32
        %dma_wait3A_246 = tpu.memref_slice %arg3[%add3A, %dma_wait3A_244, %dma_wait3A_245] : memref<32x400x512xi32, #tpu.memory_space<hbm>> -> memref<1x1x512xi32, #tpu.memory_space<hbm>>
        %dma_wait3A_247 = tpu.memref_squeeze %dma_wait3A_246 : memref<1x1x512xi32, #tpu.memory_space<hbm>> -> memref<512xi32, #tpu.memory_space<hbm>>
        %dma_wait3A_248 = arith.constant 0 : i32
        %dma_wait3A_249 = tpu.memref_slice %arg3[%add3A, %dma_wait3A_244, %dma_wait3A_248] : memref<32x400x512xi32, #tpu.memory_space<hbm>> -> memref<1x1x512xi32, #tpu.memory_space<hbm>>
        %dma_wait3A_250 = tpu.memref_squeeze %dma_wait3A_249 : memref<1x1x512xi32, #tpu.memory_space<hbm>> -> memref<512xi32, #tpu.memory_space<hbm>>
        tpu.wait_dma2 semaphore(%arg23 : memref<!tpu.dma_semaphore, #tpu.memory_space<semaphore_mem>>) src(%dma_wait3A_250 : memref<512xi32, #tpu.memory_space<hbm>>) dst(%arg12 : memref<512xi32, #tpu.memory_space<vmem>>)
        %dma_start3A_251 = arith.constant 0 : i32
        %dma_start3A_252 = arith.constant 0 : i32
        %dma_start3A_253 = tpu.memref_slice %arg21[%dma_start3A_251, %dma_start3A_252] : memref<100352x8xf32, #tpu.memory_space<vmem_shared>> -> memref<100352x8xf32, #tpu.memory_space<vmem_shared>>
        tpu.enqueue_indirect_dma source(%dma_start3A_253 : memref<100352x8xf32, #tpu.memory_space<vmem_shared>>) target(%arg16 : memref<512x8xf32, #tpu.memory_space<vmem>>) offsets(%arg8 : memref<512xi32, #tpu.memory_space<vmem>>) semaphore(%arg27 : memref<!tpu.dma_semaphore, #tpu.memory_space<semaphore_mem>>)
        %dma_start3A_254 = arith.constant 0 : i32
        %dma_start3A_255 = arith.constant 0 : i32
        %dma_start3A_256 = tpu.memref_slice %arg21[%dma_start3A_254, %dma_start3A_255] : memref<100352x8xf32, #tpu.memory_space<vmem_shared>> -> memref<100352x8xf32, #tpu.memory_space<vmem_shared>>
        tpu.enqueue_indirect_dma source(%dma_start3A_256 : memref<100352x8xf32, #tpu.memory_space<vmem_shared>>) target(%arg18 : memref<512x8xf32, #tpu.memory_space<vmem>>) offsets(%arg12 : memref<512xi32, #tpu.memory_space<vmem>>) semaphore(%arg27 : memref<!tpu.dma_semaphore, #tpu.memory_space<semaphore_mem>>)
      } else {
      }
    }
    %scan3A_119 = arith.constant 100 : i32
    %barrier3A_120 = arith.constant 0 : index
    tpu.barrier barrier_id(%barrier3A_120)
    %mul3A_121 = arith.constant 6272 : i32
    %mul3A_122 = arith.muli %arg1, %mul3A_121 : i32
    %mul3A_123 = arith.constant 6272 : i32
    %mul3A_124 = arith.muli %arg1, %mul3A_123 : i32
    "tpu.region"() ({
      %run_scoped3A = tpu.sem_alloc : memref<!tpu.dma_semaphore, #tpu.memory_space<semaphore_mem>>
      %dma_start3A_125 = arith.constant 0 : i32
      %dma_start3A_126 = tpu.memref_slice %arg6[%arg0, %mul3A_124, %dma_start3A_125] : memref<2x100352x8xf32, #tpu.memory_space<hbm>> -> memref<1x6272x8xf32, #tpu.memory_space<hbm>>
      %dma_start3A_127 = tpu.memref_squeeze %dma_start3A_126 : memref<1x6272x8xf32, #tpu.memory_space<hbm>> -> memref<6272x8xf32, #tpu.memory_space<hbm>>
      %dma_start3A_128 = arith.constant 0 : i32
      %dma_start3A_129 = tpu.memref_slice %arg20[%mul3A_122, %dma_start3A_128] : memref<100352x8xf32, #tpu.memory_space<vmem_shared>> -> memref<6272x8xf32, #tpu.memory_space<vmem_shared>>
      tpu.enqueue_dma source(%dma_start3A_129 : memref<6272x8xf32, #tpu.memory_space<vmem_shared>>) target(%dma_start3A_127 : memref<6272x8xf32, #tpu.memory_space<hbm>>) target_semaphore(%run_scoped3A : memref<!tpu.dma_semaphore, #tpu.memory_space<semaphore_mem>>)
      %dma_wait3A_130 = arith.constant 0 : i32
      %dma_wait3A_131 = tpu.memref_slice %arg6[%arg0, %mul3A_124, %dma_wait3A_130] : memref<2x100352x8xf32, #tpu.memory_space<hbm>> -> memref<1x6272x8xf32, #tpu.memory_space<hbm>>
      %dma_wait3A_132 = tpu.memref_squeeze %dma_wait3A_131 : memref<1x6272x8xf32, #tpu.memory_space<hbm>> -> memref<6272x8xf32, #tpu.memory_space<hbm>>
      %dma_wait3A_133 = arith.constant 0 : i32
      %dma_wait3A_134 = tpu.memref_slice %arg20[%mul3A_122, %dma_wait3A_133] : memref<100352x8xf32, #tpu.memory_space<vmem_shared>> -> memref<6272x8xf32, #tpu.memory_space<vmem_shared>>
      tpu.wait_dma2 semaphore(%run_scoped3A : memref<!tpu.dma_semaphore, #tpu.memory_space<semaphore_mem>>) src(%dma_wait3A_134 : memref<6272x8xf32, #tpu.memory_space<vmem_shared>>) dst(%dma_wait3A_132 : memref<6272x8xf32, #tpu.memory_space<hbm>>)
      tpu.yield
    }) : () -> ()
    return
  }
}

#map = affine_map<(d0, d1) -> (0, 0)>
#map1 = affine_map<(d0, d1) -> (0)>
module attributes {stable_mosaic.version = 14 : i64} {
  func.func @_pack_kernel(%arg0: i32, %arg1: i32, %arg2: memref<100352x2xf32, #tpu.memory_space<hbm>>, %arg3: memref<100352x2xf32, #tpu.memory_space<hbm>>, %arg4: memref<100352xi32, #tpu.memory_space<hbm>>, %arg5: memref<5x3xf32, #tpu.memory_space<hbm>>, %arg6: memref<100352x8xf32, #tpu.memory_space<hbm>>, %arg7: memref<3136x2xf32, #tpu.memory_space<vmem>>, %arg8: memref<3136x2xf32, #tpu.memory_space<vmem>>, %arg9: memref<3136xi32, #tpu.memory_space<vmem>>, %arg10: memref<5x3xf32, #tpu.memory_space<vmem>>, %arg11: memref<3136x8xf32, #tpu.memory_space<vmem>>) attributes {dimension_semantics = [#tpu.dimension_semantics<core_parallel>, #tpu.dimension_semantics<subcore_parallel>], iteration_bounds = array<i64: 2, 16>, scalar_prefetch = 0 : i64, scratch_operands = 5 : i64, tpu.core_type = #tpu.core_type<sc_vector_subcore>, window_params = [{transform_indices = #map}, {transform_indices = #map}, {transform_indices = #map1}, {transform_indices = #map}, {transform_indices = #map}]} {
    %mul3A = arith.constant 2 : i32
    %mul3A_0 = arith.muli %arg1, %mul3A : i32
    %add3A = arith.addi %mul3A_0, %arg0 : i32
    %mul3A_1 = arith.constant 3136 : i32
    %mul3A_2 = arith.muli %add3A, %mul3A_1 : i32
    "tpu.region"() ({
      %run_scoped3A = tpu.sem_alloc : memref<!tpu.dma_semaphore, #tpu.memory_space<semaphore_mem>>
      %dma_start3A = arith.constant 0 : i32
      %dma_start3A_17 = tpu.memref_slice %arg2[%mul3A_2, %dma_start3A] : memref<100352x2xf32, #tpu.memory_space<hbm>> -> memref<3136x2xf32, #tpu.memory_space<hbm>>
      %dma_start3A_18 = arith.constant 0 : i32
      %dma_start3A_19 = tpu.memref_slice %arg2[%mul3A_2, %dma_start3A_18] : memref<100352x2xf32, #tpu.memory_space<hbm>> -> memref<3136x2xf32, #tpu.memory_space<hbm>>
      tpu.enqueue_dma source(%dma_start3A_19 : memref<3136x2xf32, #tpu.memory_space<hbm>>) target(%arg7 : memref<3136x2xf32, #tpu.memory_space<vmem>>) target_semaphore(%run_scoped3A : memref<!tpu.dma_semaphore, #tpu.memory_space<semaphore_mem>>)
      %dma_wait3A = arith.constant 0 : i32
      %dma_wait3A_20 = tpu.memref_slice %arg2[%mul3A_2, %dma_wait3A] : memref<100352x2xf32, #tpu.memory_space<hbm>> -> memref<3136x2xf32, #tpu.memory_space<hbm>>
      %dma_wait3A_21 = arith.constant 0 : i32
      %dma_wait3A_22 = tpu.memref_slice %arg2[%mul3A_2, %dma_wait3A_21] : memref<100352x2xf32, #tpu.memory_space<hbm>> -> memref<3136x2xf32, #tpu.memory_space<hbm>>
      tpu.wait_dma2 semaphore(%run_scoped3A : memref<!tpu.dma_semaphore, #tpu.memory_space<semaphore_mem>>) src(%dma_wait3A_22 : memref<3136x2xf32, #tpu.memory_space<hbm>>) dst(%arg7 : memref<3136x2xf32, #tpu.memory_space<vmem>>)
      tpu.yield
    }) : () -> ()
    "tpu.region"() ({
      %run_scoped3A = tpu.sem_alloc : memref<!tpu.dma_semaphore, #tpu.memory_space<semaphore_mem>>
      %dma_start3A = arith.constant 0 : i32
      %dma_start3A_17 = tpu.memref_slice %arg3[%mul3A_2, %dma_start3A] : memref<100352x2xf32, #tpu.memory_space<hbm>> -> memref<3136x2xf32, #tpu.memory_space<hbm>>
      %dma_start3A_18 = arith.constant 0 : i32
      %dma_start3A_19 = tpu.memref_slice %arg3[%mul3A_2, %dma_start3A_18] : memref<100352x2xf32, #tpu.memory_space<hbm>> -> memref<3136x2xf32, #tpu.memory_space<hbm>>
      tpu.enqueue_dma source(%dma_start3A_19 : memref<3136x2xf32, #tpu.memory_space<hbm>>) target(%arg8 : memref<3136x2xf32, #tpu.memory_space<vmem>>) target_semaphore(%run_scoped3A : memref<!tpu.dma_semaphore, #tpu.memory_space<semaphore_mem>>)
      %dma_wait3A = arith.constant 0 : i32
      %dma_wait3A_20 = tpu.memref_slice %arg3[%mul3A_2, %dma_wait3A] : memref<100352x2xf32, #tpu.memory_space<hbm>> -> memref<3136x2xf32, #tpu.memory_space<hbm>>
      %dma_wait3A_21 = arith.constant 0 : i32
      %dma_wait3A_22 = tpu.memref_slice %arg3[%mul3A_2, %dma_wait3A_21] : memref<100352x2xf32, #tpu.memory_space<hbm>> -> memref<3136x2xf32, #tpu.memory_space<hbm>>
      tpu.wait_dma2 semaphore(%run_scoped3A : memref<!tpu.dma_semaphore, #tpu.memory_space<semaphore_mem>>) src(%dma_wait3A_22 : memref<3136x2xf32, #tpu.memory_space<hbm>>) dst(%arg8 : memref<3136x2xf32, #tpu.memory_space<vmem>>)
      tpu.yield
    }) : () -> ()
    "tpu.region"() ({
      %run_scoped3A = tpu.sem_alloc : memref<!tpu.dma_semaphore, #tpu.memory_space<semaphore_mem>>
      %dma_start3A = tpu.memref_slice %arg4[%mul3A_2] : memref<100352xi32, #tpu.memory_space<hbm>> -> memref<3136xi32, #tpu.memory_space<hbm>>
      %dma_start3A_17 = tpu.memref_slice %arg4[%mul3A_2] : memref<100352xi32, #tpu.memory_space<hbm>> -> memref<3136xi32, #tpu.memory_space<hbm>>
      tpu.enqueue_dma source(%dma_start3A_17 : memref<3136xi32, #tpu.memory_space<hbm>>) target(%arg9 : memref<3136xi32, #tpu.memory_space<vmem>>) target_semaphore(%run_scoped3A : memref<!tpu.dma_semaphore, #tpu.memory_space<semaphore_mem>>)
      %dma_wait3A = tpu.memref_slice %arg4[%mul3A_2] : memref<100352xi32, #tpu.memory_space<hbm>> -> memref<3136xi32, #tpu.memory_space<hbm>>
      %dma_wait3A_18 = tpu.memref_slice %arg4[%mul3A_2] : memref<100352xi32, #tpu.memory_space<hbm>> -> memref<3136xi32, #tpu.memory_space<hbm>>
      tpu.wait_dma2 semaphore(%run_scoped3A : memref<!tpu.dma_semaphore, #tpu.memory_space<semaphore_mem>>) src(%dma_wait3A_18 : memref<3136xi32, #tpu.memory_space<hbm>>) dst(%arg9 : memref<3136xi32, #tpu.memory_space<vmem>>)
      tpu.yield
    }) : () -> ()
    "tpu.region"() ({
      %run_scoped3A = tpu.sem_alloc : memref<!tpu.dma_semaphore, #tpu.memory_space<semaphore_mem>>
      tpu.enqueue_dma source(%arg5 : memref<5x3xf32, #tpu.memory_space<hbm>>) target(%arg10 : memref<5x3xf32, #tpu.memory_space<vmem>>) target_semaphore(%run_scoped3A : memref<!tpu.dma_semaphore, #tpu.memory_space<semaphore_mem>>)
      tpu.wait_dma2 semaphore(%run_scoped3A : memref<!tpu.dma_semaphore, #tpu.memory_space<semaphore_mem>>) src(%arg5 : memref<5x3xf32, #tpu.memory_space<hbm>>) dst(%arg10 : memref<5x3xf32, #tpu.memory_space<vmem>>)
      tpu.yield
    }) : () -> ()
    %iota3A = tpu.iota {dimensions = array<i32: 0>} : vector<16xi32>
    %broadcast_in_dim3A = arith.constant 0 : i32
    %broadcast_in_dim3A_3 = vector.broadcast %broadcast_in_dim3A : i32 to vector<16xi32>
    %add3A_4 = arith.constant 1 : i32
    %add3A_5 = vector.broadcast %add3A_4 : i32 to vector<16xi32>
    %add3A_6 = arith.addi %broadcast_in_dim3A_3, %add3A_5 : vector<16xi32>
    %add3A_7 = arith.constant 2 : i32
    %add3A_8 = vector.broadcast %add3A_7 : i32 to vector<16xi32>
    %add3A_9 = arith.addi %broadcast_in_dim3A_3, %add3A_8 : vector<16xi32>
    %broadcast_in_dim3A_10 = arith.constant 0.000000e+00 : f32
    %broadcast_in_dim3A_11 = vector.broadcast %broadcast_in_dim3A_10 : f32 to vector<16xf32>
    %scan3A = arith.constant 0 : i32
    %scan3A_12 = arith.constant 0 : i32
    %scan3A_13 = arith.constant 196 : i32
    %scan3A_14 = arith.addi %scan3A_12, %scan3A_13 : i32
    %scan3A_15 = arith.constant 1 : i32
    scf.for %scan3A_17 = %scan3A_12 to %scan3A_14 step %scan3A_15  : i32 {
      %mul3A_18 = arith.constant 16 : i32
      %mul3A_19 = arith.muli %scan3A_17, %mul3A_18 : i32
      %add3A_20 = vector.broadcast %mul3A_19 : i32 to vector<16xi32>
      %add3A_21 = arith.addi %add3A_20, %iota3A : vector<16xi32>
      %gather3A = tpu.vector_load_idx %arg7[%add3A_21, %broadcast_in_dim3A_3] : memref<3136x2xf32, #tpu.memory_space<vmem>>[vector<16xi32>, vector<16xi32>], vector<16xf32>,
      %gather3A_22 = tpu.vector_load_idx %arg7[%add3A_21, %add3A_6] : memref<3136x2xf32, #tpu.memory_space<vmem>>[vector<16xi32>, vector<16xi32>], vector<16xf32>,
      %gather3A_23 = tpu.vector_load_idx %arg8[%add3A_21, %broadcast_in_dim3A_3] : memref<3136x2xf32, #tpu.memory_space<vmem>>[vector<16xi32>, vector<16xi32>], vector<16xf32>,
      %gather3A_24 = tpu.vector_load_idx %arg8[%add3A_21, %add3A_6] : memref<3136x2xf32, #tpu.memory_space<vmem>>[vector<16xi32>, vector<16xi32>], vector<16xf32>,
      %gather3A_25 = tpu.vector_load_idx %arg9[%add3A_21] : memref<3136xi32, #tpu.memory_space<vmem>>[vector<16xi32>], vector<16xi32>,
      %gather3A_26 = tpu.vector_load_idx %arg10[%gather3A_25, %broadcast_in_dim3A_3] : memref<5x3xf32, #tpu.memory_space<vmem>>[vector<16xi32>, vector<16xi32>], vector<16xf32>,
      %gather3A_27 = tpu.vector_load_idx %arg10[%gather3A_25, %add3A_6] : memref<5x3xf32, #tpu.memory_space<vmem>>[vector<16xi32>, vector<16xi32>], vector<16xf32>,
      %gather3A_28 = tpu.vector_load_idx %arg10[%gather3A_25, %add3A_9] : memref<5x3xf32, #tpu.memory_space<vmem>>[vector<16xi32>, vector<16xi32>], vector<16xf32>,
      tpu.vector_store_idx %arg11[%add3A_21, %broadcast_in_dim3A_3], %gather3A : memref<3136x8xf32, #tpu.memory_space<vmem>>[vector<16xi32>, vector<16xi32>], vector<16xf32>,
      tpu.vector_store_idx %arg11[%add3A_21, %add3A_6], %gather3A_22 : memref<3136x8xf32, #tpu.memory_space<vmem>>[vector<16xi32>, vector<16xi32>], vector<16xf32>,
      tpu.vector_store_idx %arg11[%add3A_21, %add3A_9], %gather3A_23 : memref<3136x8xf32, #tpu.memory_space<vmem>>[vector<16xi32>, vector<16xi32>], vector<16xf32>,
      %add3A_29 = arith.constant 3 : i32
      %add3A_30 = vector.broadcast %add3A_29 : i32 to vector<16xi32>
      %add3A_31 = arith.addi %broadcast_in_dim3A_3, %add3A_30 : vector<16xi32>
      tpu.vector_store_idx %arg11[%add3A_21, %add3A_31], %gather3A_24 : memref<3136x8xf32, #tpu.memory_space<vmem>>[vector<16xi32>, vector<16xi32>], vector<16xf32>,
      %add3A_32 = arith.constant 4 : i32
      %add3A_33 = vector.broadcast %add3A_32 : i32 to vector<16xi32>
      %add3A_34 = arith.addi %broadcast_in_dim3A_3, %add3A_33 : vector<16xi32>
      tpu.vector_store_idx %arg11[%add3A_21, %add3A_34], %gather3A_26 : memref<3136x8xf32, #tpu.memory_space<vmem>>[vector<16xi32>, vector<16xi32>], vector<16xf32>,
      %add3A_35 = arith.constant 5 : i32
      %add3A_36 = vector.broadcast %add3A_35 : i32 to vector<16xi32>
      %add3A_37 = arith.addi %broadcast_in_dim3A_3, %add3A_36 : vector<16xi32>
      tpu.vector_store_idx %arg11[%add3A_21, %add3A_37], %gather3A_27 : memref<3136x8xf32, #tpu.memory_space<vmem>>[vector<16xi32>, vector<16xi32>], vector<16xf32>,
      %add3A_38 = arith.constant 6 : i32
      %add3A_39 = vector.broadcast %add3A_38 : i32 to vector<16xi32>
      %add3A_40 = arith.addi %broadcast_in_dim3A_3, %add3A_39 : vector<16xi32>
      tpu.vector_store_idx %arg11[%add3A_21, %add3A_40], %gather3A_28 : memref<3136x8xf32, #tpu.memory_space<vmem>>[vector<16xi32>, vector<16xi32>], vector<16xf32>,
      %add3A_41 = arith.constant 7 : i32
      %add3A_42 = vector.broadcast %add3A_41 : i32 to vector<16xi32>
      %add3A_43 = arith.addi %broadcast_in_dim3A_3, %add3A_42 : vector<16xi32>
      tpu.vector_store_idx %arg11[%add3A_21, %add3A_43], %broadcast_in_dim3A_11 : memref<3136x8xf32, #tpu.memory_space<vmem>>[vector<16xi32>, vector<16xi32>], vector<16xf32>,
    }
    %scan3A_16 = arith.constant 196 : i32
    "tpu.region"() ({
      %run_scoped3A = tpu.sem_alloc : memref<!tpu.dma_semaphore, #tpu.memory_space<semaphore_mem>>
      %dma_start3A = arith.constant 0 : i32
      %dma_start3A_17 = tpu.memref_slice %arg6[%mul3A_2, %dma_start3A] : memref<100352x8xf32, #tpu.memory_space<hbm>> -> memref<3136x8xf32, #tpu.memory_space<hbm>>
      %dma_start3A_18 = arith.constant 0 : i32
      %dma_start3A_19 = tpu.memref_slice %arg6[%mul3A_2, %dma_start3A_18] : memref<100352x8xf32, #tpu.memory_space<hbm>> -> memref<3136x8xf32, #tpu.memory_space<hbm>>
      tpu.enqueue_dma source(%arg11 : memref<3136x8xf32, #tpu.memory_space<vmem>>) target(%dma_start3A_19 : memref<3136x8xf32, #tpu.memory_space<hbm>>) target_semaphore(%run_scoped3A : memref<!tpu.dma_semaphore, #tpu.memory_space<semaphore_mem>>)
      %dma_wait3A = arith.constant 0 : i32
      %dma_wait3A_20 = tpu.memref_slice %arg6[%mul3A_2, %dma_wait3A] : memref<100352x8xf32, #tpu.memory_space<hbm>> -> memref<3136x8xf32, #tpu.memory_space<hbm>>
      %dma_wait3A_21 = arith.constant 0 : i32
      %dma_wait3A_22 = tpu.memref_slice %arg6[%mul3A_2, %dma_wait3A_21] : memref<100352x8xf32, #tpu.memory_space<hbm>> -> memref<3136x8xf32, #tpu.memory_space<hbm>>
      tpu.wait_dma2 semaphore(%run_scoped3A : memref<!tpu.dma_semaphore, #tpu.memory_space<semaphore_mem>>) src(%arg11 : memref<3136x8xf32, #tpu.memory_space<vmem>>) dst(%dma_wait3A_22 : memref<3136x8xf32, #tpu.memory_space<hbm>>)
      tpu.yield
    }) : () -> ()
    return
  }
}

module attributes {stable_mosaic.version = 14 : i64} {
  func.func @_combine_body(%arg0: memref<3136x256xf32, #tpu.memory_space<vmem>>, %arg1: memref<3136x256xf32, #tpu.memory_space<vmem>>, %arg2: memref<3136x256xf32, #tpu.memory_space<vmem>>) attributes {dimension_semantics = [], scalar_prefetch = 0 : i64, scratch_operands = 0 : i64, tpu.core_type = #tpu.core_type<tc>} {
    %get3A = arith.constant 0 : index
    %get3A_0 = arith.constant 0 : index
    %get3A_1 = vector.load %arg0[%get3A, %get3A_0] : memref<3136x256xf32, #tpu.memory_space<vmem>>, vector<3136x256xf32>
    %get3A_2 = arith.constant 0 : index
    %get3A_3 = arith.constant 0 : index
    %get3A_4 = vector.load %arg1[%get3A_2, %get3A_3] : memref<3136x256xf32, #tpu.memory_space<vmem>>, vector<3136x256xf32>
    %add3A = arith.addf %get3A_1, %get3A_4 : vector<3136x256xf32>
    %swap3A = arith.constant 0 : index
    %swap3A_5 = arith.constant 0 : index
    %swap3A_6 = vector.load %arg2[%swap3A, %swap3A_5] : memref<3136x256xf32, #tpu.memory_space<vmem>>, vector<3136x256xf32>
    tpu.vector_store %arg2[%swap3A, %swap3A_5], %add3A {strides = array<i32>} : memref<3136x256xf32, #tpu.memory_space<vmem>>, vector<3136x256xf32>,
    return
  }
}

</mosaic_0001>

<sc_bundles>
// kernel: kernel.5.cloned.1.call-start
scs
__scs_entry_jumppad:
0x0: {  	(pc) =	sbr.rel $0x88, $3  }
0x1: {  	(tag) =	ssettag $0x0;
	lr =	simm.s32 $0x1  }
0x2: {  	[smem:$0x3F9C] =	sst lr;
	_ =	strace $0xD0000000  }
0x3: {  	_ = 	snop  }
0x4: {  	_ = 	snop  }
0x5: {  	_ = 	snop  }
0x6: {  	_ = 	snop  }
0x7: {  	_ = 	snop  }
__scs_overlays_trampoline_lowered:
0x8: {  	[smem:$0x3FAB] =	sst s0  }
0x9: {  	[smem:$0x3FAC] =	sst s1  }
0xa: {  	[smem:$0x3FAD] =	sst s2  }
0xb: {  	[smem:$0x3FAE] =	sst s3  }
0xc: {  	[smem:$0x3FAF] =	sst s4  }
0xd: {  	[smem:$0x3FB0] =	sst s5  }
0xe: {  	[smem:$0x3FB1] =	sst s6  }
0xf: {  	[smem:$0x3FB2] =	sst s7  }
0x10: {  	[smem:$0x3FB3] =	sst s8  }
0x11: {  	[smem:$0x3FB4] =	sst s9;
	s0 =	simm.s32 @!p0 $0x0  }
0x12: {  	s1 =	sld [smem:$0x3F9A];
	s0 =	simm.s32 @p0 $0x1  }
0x13: {  	[smem:$0x3FB5] =	sst s0;
	s0 =	simm.s32 @!p1 $0x0  }
0x14: {  	s2 =	sld [smem:$0x3F99];
	s0 =	simm.s32 @p1 $0x1  }
0x15: {  	[smem:$0x3FB6] =	sst s0;
	s0 =	simm.s32 @!p2 $0x0  }
0x16: {  	s3 =	sld [smem:$0x3FDB];
	s0 =	simm.s32 @p2 $0x1  }
0x17: {  	s4 =	simm.s32 $0x1BF5;
	[smem:$0x3FB8] =	sst s0  }
0x18: {  	s0 =	sld [smem:$0x3F9B];
	_ =	swait.ge [sflag:s4], $0x0  }
0x19: {  	s7 =	sld [smem:$0x3F9C]  }
0x1a: {  	s8 =	sadd.s32 $0xFFFFE003, lr  }
0x1b: {  	s9 =	sadd.s32 $0xFFFFFEF7, lr;
	s5 =	simm.s32 $0xFFFFFFFF;
	p2 =	slt.u32 s8, $0xFFFFF086  }
0x1c: {  	p1 =	slt.u32 s9, $0xF7A;
	s5 =	simm.s32 @!p2 $0x0  }
0x1d: {  	s5 =	simm.s32 @p1 $0x1;
	p0 =	seq.s32 s7, s2  }
0x1e: {  	s7 =	smul.u32 @!p0 $0xF7A, s2;
	p2 =	seq.s32 @!p0 s5, $0x0  }
0x1f: {  	s9 =	smul.u32 $0xF7A, s1;
	s8 =	simm.s32 @!p0 $0x1BF5;
	p2 =	por !p2, p0  }
0x20: {  	[sflag:s8] =	ssyncset.s32 @!p0 $0xFFFFF086;
	s6 =	sadd.s32 @!p0 s3, s7;
	s7 =	simm.s32 @!p0 $0x108  }
0x21: {  	s3 =	sadd.s32 s3, s9;
	s6 =	sadd.s32 @!p0 $0x88, s6;
	s7 =	simm.s32 @p2 $0x1082  }
0x22: {  	[simem:s7], [sflag:s8] =	dma.local @!p0 [hbm:s6], $0xF7A  }
0x23: {  	s9 =	sor.u32 $0xD0000000, s2;
	s6 =	simm.s32 $0x108;
	_ =	swait.ge @!p0 [sflag:s8], $0x0  }
0x24: {  	s3 =	sadd.s32 $0x88, s3;
	s6 =	simm.s32 @!p1 $0x1082;
	[sflag:s4] =	ssyncset.s32 $0xFFFFF086  }
0x25: {  	[simem:s6], [sflag:s4] =	dma.local [hbm:s3], $0xF7A  }
0x26: {  	[smem:$0x3F9C] =	sst s1;
	(tag) =	ssettag s2;
	_ =	strace s9  }
0x27: {  	s1 =	sld [smem:$0x3FAC]  }
0x28: {  	s2 =	sld [smem:$0x3FAD]  }
0x29: {  	s4 =	sld [smem:$0x3FAF]  }
0x2a: {  	p0 =	seq.s32 s5, $0x0;
	s5 =	sld [smem:$0x3FB0]  }
0x2b: {  	s6 =	sld [smem:$0x3FB1]  }
0x2c: {  	s7 =	sld [smem:$0x3FB2]  }
0x2d: {  	s3 =	simm.s32 $0x108;
	s8 =	sld [smem:$0x3FB3]  }
0x2e: {  	s3 =	simm.s32 @!p0 $0x1082;
	s9 =	sld [smem:$0x3FB4]  }
0x2f: {  	lr =	sadd.s32 s0, s3;
	s0 =	sld [smem:$0x3FAB]  }
0x30: {  	s3 =	sld [smem:$0x3FAE]  }
0x31: {  	[smem:$0x3FB7] =	sst s10  }
0x32: {  	s10 =	sld [smem:$0x3FB5];
	_ =	sdelay $0x3  }
0x33: {  	p0 =	seq.s32 s10, $0x1;
	s10 =	sld [smem:$0x3FB7];
	_ =	sdelay $0x3  }
0x34: {  	[smem:$0x3FB7] =	sst s10  }
0x35: {  	s10 =	sld [smem:$0x3FB6];
	_ =	sdelay $0x3  }
0x36: {  	p1 =	seq.s32 s10, $0x1;
	s10 =	sld [smem:$0x3FB7];
	_ =	sdelay $0x3  }
0x37: {  	[smem:$0x3FB7] =	sst s10  }
0x38: {  	s10 =	sld [smem:$0x3FB8]  }
0x39: {  	_ = 	snop;
	(pc) =	sbr.ind lr, $3  }
0x3a: {  	_ = 	snop  }
0x3b: {  	_ = 	snop  }
0x3c: {  	p2 =	seq.s32 s10, $0x1;
	s10 =	sld [smem:$0x3FB7]  }
0x3d: {  	_ =	shalt  }
0x3e: {  	_ =	shalt  }
0x3f: {  	_ =	shalt  }
0x40: {  	_ =	shalt  }
0x41: {  	_ =	shalt  }
0x42: {  	_ =	shalt  }
0x43: {  	_ =	shalt  }
0x44: {  	_ =	shalt  }
0x45: {  	_ =	shalt  }
0x46: {  	_ =	shalt  }
0x47: {  	_ =	shalt  }
0x48: {  	_ =	shalt  }
0x49: {  	_ =	shalt  }
0x4a: {  	_ =	shalt  }
0x4b: {  	_ =	shalt  }
0x4c: {  	_ =	shalt  }
0x4d: {  	_ =	shalt  }
0x4e: {  	_ =	shalt  }
0x4f: {  	_ =	shalt  }
0x50: {  	_ =	shalt  }
0x51: {  	_ =	shalt  }
0x52: {  	_ =	shalt  }
0x53: {  	_ =	shalt  }
0x54: {  	_ =	shalt  }
0x55: {  	_ =	shalt  }
0x56: {  	_ =	shalt  }
0x57: {  	_ =	shalt  }
0x58: {  	_ =	shalt  }
0x59: {  	_ =	shalt  }
0x5a: {  	_ =	shalt  }
0x5b: {  	_ =	shalt  }
0x5c: {  	_ =	shalt  }
0x5d: {  	_ =	shalt  }
0x5e: {  	_ =	shalt  }
0x5f: {  	_ =	shalt  }
0x60: {  	_ =	shalt  }
0x61: {  	_ =	shalt  }
0x62: {  	_ =	shalt  }
0x63: {  	_ =	shalt  }
0x64: {  	_ =	shalt  }
0x65: {  	_ =	shalt  }
0x66: {  	_ =	shalt  }
0x67: {  	_ =	shalt  }
0x68: {  	_ =	shalt  }
0x69: {  	_ =	shalt  }
0x6a: {  	_ =	shalt  }
0x6b: {  	_ =	shalt  }
0x6c: {  	_ =	shalt  }
0x6d: {  	_ =	shalt  }
0x6e: {  	_ =	shalt  }
0x6f: {  	_ =	shalt  }
0x70: {  	_ =	shalt  }
0x71: {  	_ =	shalt  }
0x72: {  	_ =	shalt  }
0x73: {  	_ =	shalt  }
0x74: {  	_ =	shalt  }
0x75: {  	_ =	shalt  }
0x76: {  	_ =	shalt  }
0x77: {  	_ =	shalt  }
0x78: {  	_ =	shalt  }
0x79: {  	_ =	shalt  }
0x7a: {  	_ =	shalt  }
0x7b: {  	_ =	shalt  }
0x7c: {  	_ =	shalt  }
0x7d: {  	_ =	shalt  }
0x7e: {  	_ =	shalt  }
0x7f: {  	_ =	shalt  }
0x80: {  	_ =	shalt  }
0x81: {  	_ =	shalt  }
0x82: {  	_ =	shalt  }
0x83: {  	_ =	shalt  }
0x84: {  	_ =	shalt  }
0x85: {  	_ =	shalt  }
0x86: {  	_ =	shalt  }
0x87: {  	_ =	shalt  }
.Lfunc_end0:
.L_simem_size_0:
called_computation_lowered:
.L_overlay_start_0:
0x88: {  	s2 =	sld [smem:$0x3FD9]  }
0x89: {  	s3 =	sld [smem:$0x3FFE];
	_ =	sdelay $0x1  }
0x8a: {  	s1 =	srdreg.scid  }
0x8b: {  	s0 =	sand.u32 $0x1, s1  }
0x8c: {  	s17 =	sshll.u32 s0, $0xA;
	s2 =	sadd.s32 s3, s2  }
0x8d: {  	s2 =	sadd.s32 s2, s17  }
0x8e: {  	[smem:$0x3FC3] =	sst s2  }
0x8f: {  	_ = 	snop  }
0x90: {  	s2 =	sld [smem:$0x3FD0];
	(tm) =	ssettm $0x1  }
0x91: {  	s18 =	sld [smem:$0x3FFB];
	_ =	sdelay $0x3  }
0x92: {  	_ =	strace s18  }
0x93: {  	s3 =	sld [smem:$0x3FFC];
	_ =	sdelay $0x3  }
0x94: {  	_ =	strace s3  }
0x95: {  	s3 =	sld [smem:$0x3FFD];
	_ =	sdelay $0x3  }
0x96: {  	_ =	strace s3  }
0x97: {  	_ =	strace $0x8FFFFFFF  }
0x98: {  	s19 =	sld [smem:$0x3FDB];
	_ =	sdelay $0x1  }
0x99: {  	s4 =	simm.s32 $_scs_section_size  }
0x9a: {  	s5 =	simm.s32 $_size__tile_overlayer_lowered;
	s6 =	simm.s32 $_tile_overlayer_lowered  }
0x9b: {  	s22 =	simm.s32 $0x1BFF;
	s21 =	sshll.u32 s6, $0x1;
	s3 =	sadd.s32 s4, s19  }
0x9c: {  	s7 =	simm.s32 $0x0;
	s20 =	sshll.u32 s5, $0x1;
	s5 =	sadd.s32 s21, s3  }
0x9d: {  	[timem:s7], [sflag:s22] =	dma.local [hbm:s5], s20  }
0x9e: {  	_ =	swait.ge [sflag:s22], s20  }
0x9f: {  	s4 =	ssub.s32 $0x0, s20;
	[sflag:s22] =	ssyncset.done $0x0  }
0xa0: {  	[sflag:s22] =	ssyncadd.s32 s4;
	_ =	sdelay $0x1  }
0xa1: {  	s23 =	simm.s32 $0x1B8B  }
0xa2: {  	_ =	swait.ge [sflag:s23], $0x1  }
0xa3: {  	[sflag:s23] =	ssyncset.done $0x0  }
0xa4: {  	s25 =	simm.s32 $0x1B8E;
	s24 =	sld [smem:$0x3FFE];
	[sflag:s23] =	ssyncadd.s32 $0xFFFFFFFF  }
0xa5: {  	s26 =	simm.s32 $execute0_lowered;
	[smem:$0x3FD2] =	sst s25  }
0xa6: {  	s5 =	sshll.u32 s26, $0x1;
	_ =	strace $0x80000046;
	[dreg:$0x1] =	wrdreg $0xFFFFFFFF  }
0xa7: {  	s28 =	simm.s32 $_size_execute0_lowered;
	s3 =	sadd.s32 s3, s5;
	[dreg:$0x0] =	wrdreg $0x0  }
0xa8: {  	s5 =	sshll.u32 s28, $0x1;
	[dreg:$0x2] =	wrdreg s3  }
0xa9: {  	[dreg:$0x3] =	wrdreg s5  }
0xaa: {  	[dreg:$0x4] =	wrdreg $0xC0  }
0xab: {  	_ =	task [dreg:s7], $0x5FFFF  }
0xac: {  	[dreg:$0x1] =	wrdreg $0xFFFFFFFF  }
0xad: {  	[dreg:$0x0] =	wrdreg $0x60  }
0xae: {  	[dreg:$0x2] =	wrdreg s24  }
0xaf: {  	[dreg:$0x3] =	wrdreg s2  }
0xb0: {  	[dreg:$0x4] =	wrdreg $0x9  }
0xb1: {  	_ =	task.clear_ibuf [dreg:s7], $0x5FFFF;
	_ =	strace $0x90000046  }
0xb2: {  	s29 =	simm.s32 $0x9;
	_ =	strace $0x80000048  }
0xb3: {  	_ =	swait.ge [sflag:s29], $0x1  }
0xb4: {  	[sflag:s29] =	ssyncadd.s32 $0xFFFFFFFF  }
0xb5: {  	_ =	strace $0x90000048  }
0xb6: {  	_ =	sfence  }
0xb7: {  	s30 =	sld [smem:$0x0];
	_ =	sdelay $0x2  }
0xb8: {  	s31 =	sshll.u32 s1, $0xD;
	s1 =	sshrl.u32 s1, $0x2  }
0xb9: {  	s3 =	sand.u32 $0x4000, s31;
	s1 =	sadd.s32 s1, s30  }
0xba: {  	s0 =	sor.u32 s3, s0;
	s1 =	sshll.u32 s1, $0x11  }
0xbb: {  	s0 =	sor.u32 s1, s0  }
0xbc: {  	s0 =	sadd.s32 $0x8F2B, s0  }
0xbd: {  	[sflag:s0] =	ssyncadd.remote.s32 $0x1  }
0xbe: {  	_ =	sfence.sel $0xFFFF  }
0xbf: {  	[dreg:$0x0] =	wrdreg $0xFFFFFFFF;
	(pc) =	sbr.abs _section_cstart, $3  }
0xc0: {  	[dreg:$0x1] =	wrdreg $0xFFFFFFFF  }
0xc1: {  	_ =	task.clear_ibuf [dreg:s7], $0x2FFFF;
	_ =	strace $0x9FFFFFFF  }
0xc2: {  	(tm) =	ssettm $0x7FFFFFFF  }
0xc3: {  	_ =	shalt  }
tec
execute0_lowered:
.L_overlay_start_1:
0x0: {  	(tag) =	ssettag $0x1  }
0x1: {  	s4 =	rddreg [dreg:$0x0];
	s1 =	srdreg.scid  }
0x2: {  	s0 =	stileid.u32;
	s6 =	rddreg [dreg:$0x1];
	s2 =	simm.s32 $0x0  }
0x3: {  	s10 =	simm.s32 $0x6200;
	s11 =	simm.s32 $0xC400;
	s12 =	simm.s32 $0xD040  }
0x4: {  	s13 =	simm.s32 $0xD068;
	s5 =	sand.u32 $0x1, s1;
	s3 =	sshll.u32 s0, $0x1  }
0x5: {  	s14 =	simm.s32 $0x0;
	s1 =	rddreg [dreg:$0x2];
	s7 =	sor.u32 s5, s3  }
0x6: {  	[smem:$0x7FF] =	sst s2;
	s5 =	ssub.s32 $0x2, s5;
	s8 =	smul.u32 $0xC40, s7  }
0x7: {  	_ =	strace $0x80000047;
	s31 =	sshrl.u32 s5, $0x1;
	s7 =	smul.u32 $0x188, s7  }
0x8: {  	s3 =	sadd.s32 $0x1000, s4;
	s9 =	ssub.s32 s5, s31;
	s8 =	sadd.s32 s8, s4  }
0x9: {  	v0 =	vlaneseq.u32;
	s6 =	sadd.s32 s6, s7;
	s4 =	sadd.s32 $0x1200, s8;
	s5 =	sadd.s32 $0x19A00, s8  }
0xa: {  	v2 =	vimm.f32 $0.0e+00;
	v1 =	vor.u32 $0xFFFFFFF8, v0;
	s7 =	sadd.s32 $0x32200, s8;
	s8 =	smax.u32 s9, $0x1;
	s9 =	simm.s32 $0x1  }
.LBB2_1:
0xb: {  	[tilespmem:s2], [sflag:$0x1] =	stream.linear.gather [hbm4b:s4+s2], $0x6200, $0x38;
	[tilespmem:$0x13268] =	vst v63  }
0xc: {  	_ =	swait.ge [sflag:s9], $0x6200  }
0xd: {  	[sflag:s9] =	ssyncset.done $0x0  }
0xe: {  	[sflag:s9] =	ssyncadd.s32 $0xFFFF9E00  }
0xf: {  	[tilespmem:s10], [sflag:$0x1] =	stream.linear.gather [hbm4b:s5+s2], $0x6200, $0x38;
	[tilespmem:$0x13268] =	vst v63  }
0x10: {  	_ =	swait.ge [sflag:s9], $0x6200  }
0x11: {  	[sflag:s9] =	ssyncset.done $0x0  }
0x12: {  	[sflag:s9] =	ssyncadd.s32 $0xFFFF9E00  }
0x13: {  	[tilespmem:s11], [sflag:$0x1] =	stream.linear.gather [hbm4b:s6+s2], $0xC40, $0x38;
	[tilespmem:$0x13268] =	vst v63  }
0x14: {  	_ =	swait.ge [sflag:s9], $0xC40  }
0x15: {  	v3 =	vor.u32 s2, v0;
	[sflag:s9] =	ssyncset.done $0x0  }
0x16: {  	v4 =	vand.u32 v1, v3;
	[sflag:s9] =	ssyncadd.s32 $0xFFFFF3C0  }
0x17: {  	[tilespmem:s12], [sflag:$0x1] =	stream.linear.gather [hbm4b:s3+s2], $0x28, $0x38;
	[tilespmem:$0x13268] =	vst v63  }
0x18: {  	_ =	swait.ge [sflag:s9], $0x28  }
0x19: {  	[sflag:s9] =	ssyncset.done $0x0  }
0x1a: {  	[sflag:s9] =	ssyncadd.s32 $0xFFFFFFD8  }
0x1b: {  	v5 =	vshll.u32 v3, $0x3;
	v4 =	vld.idx.msk [tilespmem:v4+s11+$0x0], $0xffff  }
0x1c: {  	v6 =	vor.u32 $0x1, v5;
	_ =	sdelay $0x3  }
0x1d: {  	v3 =	vshll.u32 v4, $0x3  }
0x1e: {  	v9 =	vld.idx.msk [tilespmem:v6+s2+$0x0], $0xffff;
	v7 =	vor.u32 $0x1, v3  }
0x1f: {  	v4 =	vld.idx.msk [tilespmem:v5+s2+$0x0], $0xffff;
	v8 =	vor.u32 $0x2, v3  }
0x20: {  	v10 =	vld.idx.msk [tilespmem:v5+s10+$0x0], $0xffff  }
0x21: {  	v12 =	vor.u32 $0x2, v5;
	v11 =	vld.idx.msk [tilespmem:v6+s10+$0x0], $0xffff  }
0x22: {  	v14 =	vor.u32 $0x3, v5;
	v13 =	vld.idx.msk [tilespmem:v3+s12+$0x0], $0xffff  }
0x23: {  	v15 =	vld.idx.msk [tilespmem:v7+s12+$0x0], $0xffff;
	v7 =	vor.u32 $0x4, v5  }
0x24: {  	v3 =	vld.idx.msk [tilespmem:v8+s12+$0x0], $0xffff;
	[tilespmem:v5+s13+$0x0] =	vst.idx.msk $0xffff, v4  }
0x25: {  	v8 =	vor.u32 $0x5, v5;
	[tilespmem:v6+s13+$0x0] =	vst.idx.msk $0xffff, v9  }
0x26: {  	s15 =	simm.s32 $0x10;
	v6 =	vor.u32 $0x6, v5;
	[tilespmem:v12+s13+$0x0] =	vst.idx.msk $0xffff, v10  }
0x27: {  	v4 =	vor.u32 s15, v0;
	v5 =	vor.u32 $0x7, v5;
	[tilespmem:v14+s13+$0x0] =	vst.idx.msk $0xffff, v11  }
0x28: {  	[tilespmem:v7+s13+$0x0] =	vst.idx.msk $0xffff, v13;
	v7 =	vand.u32 v1, v4;
	_ =	sdelay $0x1  }
0x29: {  	s15 =	simm.s32 $0x20;
	[tilespmem:v8+s13+$0x0] =	vst.idx.msk $0xffff, v15  }
.LBB2_2:
0x2a: {  	p0 =	sne.s32 s15, $0xC30;
	[tilespmem:v6+s13+$0x0] =	vst.idx.msk $0xffff, v3;
	s16 =	smov.u32 s15;
	s15 =	sadd.s32 $0x10, s15  }
0x2b: {  	[tilespmem:v5+s13+$0x0] =	vst.idx.msk $0xffff, v2  }
0x2c: {  	v3 =	vld.idx.msk [tilespmem:v7+s11+$0x0], $0xffff;
	_ =	sdelay $0x1  }
0x2d: {  	v4 =	vshll.u32 v4, $0x3  }
0x2e: {  	v5 =	vor.u32 $0x1, v4;
	_ =	sdelay $0x2  }
0x2f: {  	v3 =	vshll.u32 v3, $0x3  }
0x30: {  	v7 =	vor.u32 $0x1, v3;
	v8 =	vor.u32 $0x2, v3;
	v6 =	vld.idx.msk [tilespmem:v4+s2+$0x0], $0xffff  }
0x31: {  	v9 =	vld.idx.msk [tilespmem:v5+s2+$0x0], $0xffff  }
0x32: {  	v10 =	vld.idx.msk [tilespmem:v4+s10+$0x0], $0xffff  }
0x33: {  	v12 =	vor.u32 $0x2, v4;
	v11 =	vld.idx.msk [tilespmem:v5+s10+$0x0], $0xffff  }
0x34: {  	v14 =	vor.u32 $0x3, v4;
	v13 =	vld.idx.msk [tilespmem:v3+s12+$0x0], $0xffff  }
0x35: {  	v16 =	vor.u32 $0x4, v4;
	v15 =	vld.idx.msk [tilespmem:v7+s12+$0x0], $0xffff  }
0x36: {  	v3 =	vld.idx.msk [tilespmem:v8+s12+$0x0], $0xffff;
	v8 =	vor.u32 $0x5, v4  }
0x37: {  	[tilespmem:v4+s13+$0x0] =	vst.idx.msk $0xffff, v6;
	v6 =	vor.u32 $0x6, v4  }
.Ltmp0:
0x38: {  	[tilespmem:v5+s13+$0x0] =	vst.idx.msk $0xffff, v9;
	v5 =	vor.u32 $0x7, v4;
	(pc) =	sbr.rel @p0 .LBB2_2-.Ltmp0, $4  }
0x39: {  	v4 =	vor.u32 s16, v0;
	[tilespmem:v12+s13+$0x0] =	vst.idx.msk $0xffff, v10  }
0x3a: {  	v7 =	vand.u32 v1, v4;
	[tilespmem:v14+s13+$0x0] =	vst.idx.msk $0xffff, v11  }
0x3b: {  	[tilespmem:v16+s13+$0x0] =	vst.idx.msk $0xffff, v13  }
0x3c: {  	[tilespmem:v8+s13+$0x0] =	vst.idx.msk $0xffff, v15  }
0x3d: {  	_ =	sdelay $0x3  }
0x3e: {  	[tilespmem:v6+s13+$0x0] =	vst.idx.msk $0xffff, v3  }
0x3f: {  	[tilespmem:v5+s13+$0x0] =	vst.idx.msk $0xffff, v2  }
0x40: {  	v3 =	vld.idx.msk [tilespmem:v7+s11+$0x0], $0xffff  }
0x41: {  	v4 =	vshll.u32 v4, $0x3;
	_ =	sdelay $0x1  }
0x42: {  	v61 =	vor.u32 $0x1, v4;
	_ =	sdelay $0x1  }
0x43: {  	v3 =	vshll.u32 v3, $0x3  }
0x44: {  	v6 =	vld.idx.msk [tilespmem:v4+s2+$0x0], $0xffff;
	v62 =	vor.u32 $0x1, v3  }
0x45: {  	v10 =	vld.idx.msk [tilespmem:v4+s10+$0x0], $0xffff;
	v8 =	vor.u32 $0x2, v3  }
0x46: {  	v9 =	vld.idx.msk [tilespmem:v61+s2+$0x0], $0xffff  }
0x47: {  	v12 =	vor.u32 $0x2, v4;
	v11 =	vld.idx.msk [tilespmem:v61+s10+$0x0], $0xffff  }
0x48: {  	v13 =	vor.u32 $0x3, v4;
	v3 =	vld.idx.msk [tilespmem:v3+s12+$0x0], $0xffff  }
0x49: {  	v14 =	vor.u32 $0x4, v4;
	v7 =	vld.idx.msk [tilespmem:v62+s12+$0x0], $0xffff  }
0x4a: {  	v15 =	vor.u32 $0x5, v4;
	v8 =	vld.idx.msk [tilespmem:v8+s12+$0x0], $0xffff;
	[tilespmem:v4+s13+$0x0] =	vst.idx.msk $0xffff, v6  }
0x4b: {  	v63 =	vor.u32 $0x6, v4;
	[tilespmem:v61+s13+$0x0] =	vst.idx.msk $0xffff, v9  }
0x4c: {  	v4 =	vor.u32 $0x7, v4;
	[tilespmem:v12+s13+$0x0] =	vst.idx.msk $0xffff, v10  }
0x4d: {  	[tilespmem:v13+s13+$0x0] =	vst.idx.msk $0xffff, v11  }
0x4e: {  	[tilespmem:v14+s13+$0x0] =	vst.idx.msk $0xffff, v3  }
0x4f: {  	s14 =	sadd.s32 $0x1, s14;
	[tilespmem:v15+s13+$0x0] =	vst.idx.msk $0xffff, v7  }
0x50: {  	p0 =	sne.s32 s14, s8;
	[tilespmem:v63+s13+$0x0] =	vst.idx.msk $0xffff, v8  }
.Ltmp1:
0x51: {  	[tilespmem:v4+s13+$0x0] =	vst.idx.msk $0xffff, v2;
	(pc) =	sbr.rel @p0 .LBB2_1-.Ltmp1, $4  }
0x52: {  	[hbm4b:s7+s2] =	stream.linear.scatter [tilespmem:s13], [sflag:$0x1], $0x6200, $0x38;
	[tilespmem:$0x13268] =	vst v63  }
0x53: {  	_ =	swait.ge [sflag:s9], $0x6200  }
0x54: {  	[sflag:s9] =	ssyncset.done $0x0  }
0x55: {  	[sflag:s9] =	ssyncadd.s32 $0xFFFF9E00  }
0x56: {  	_ =	sfence.sel $0x180000  }
0x57: {  	[bflag:$0x0] =	sbarrier.arrive $0xFFFF  }
0x58: {  	p0 =	sne.s32 s0, $0x0;
	_ =	strace $0x90000047  }
0x59: {  	s0 =	sadd.s32 @!p0 $0x100000, s1;
	[bflag:$0x2] =	sbarrier.arrive $0xFFFF  }
0x5a: {  	[sflag:s0] =	ssyncadd.tile.s32 @!p0 $0x1;
	_ =	shalt  }
.Lfunc_end2:
_tile_overlayer_lowered:
.L_overlay_start_2:
0x5b: {  	(tag) =	ssettag $0x2  }
0x5c: {  	s0 =	rddreg [dreg:$0x0];
	s2 =	stileid.u32  }
0x5d: {  	s1 =	rddreg [dreg:$0x1];
	p0 =	sne.s32 s2, $0x0  }
0x5e: {  	s3 =	rddreg [dreg:$0x2];
	[bflag:$0x3] =	sbarrier.arrive $0xFFFF;
	s2 =	simm.s32 @!p0 $0x1C01  }
0x5f: {  	[timem:s3], [sflag:s2] =	dma.local @!p0 [hbm:s0], s1  }
0x60: {  	s0 =	simm.s32 @!p0 $0x1  }
0x61: {  	_ =	swait.ge @!p0 [sflag:s0], s1  }
0x62: {  	s1 =	ssub.s32 @!p0 $0x0, s1;
	[sflag:s0] =	ssyncset.done @!p0 $0x0  }
0x63: {  	[sflag:s0] =	ssyncadd.s32 @!p0 s1  }
0x64: {  	[bflag:$0x3] =	sbarrier.arrive $0xFFFF  }
0x65: {  	_ =	shalt  }

// kernel: kernel.8.cloned.1.call-start
scs
__scs_entry_jumppad:
0x0: {  	(pc) =	sbr.rel $0x88, $3  }
0x1: {  	(tag) =	ssettag $0x0;
	lr =	simm.s32 $0x1  }
0x2: {  	[smem:$0x3F9C] =	sst lr;
	_ =	strace $0xD0000000  }
0x3: {  	_ = 	snop  }
0x4: {  	_ = 	snop  }
0x5: {  	_ = 	snop  }
0x6: {  	_ = 	snop  }
0x7: {  	_ = 	snop  }
__scs_overlays_trampoline_lowered:
0x8: {  	[smem:$0x3FAB] =	sst s0  }
0x9: {  	[smem:$0x3FAC] =	sst s1  }
0xa: {  	[smem:$0x3FAD] =	sst s2  }
0xb: {  	[smem:$0x3FAE] =	sst s3  }
0xc: {  	[smem:$0x3FAF] =	sst s4  }
0xd: {  	[smem:$0x3FB0] =	sst s5  }
0xe: {  	[smem:$0x3FB1] =	sst s6  }
0xf: {  	[smem:$0x3FB2] =	sst s7  }
0x10: {  	[smem:$0x3FB3] =	sst s8  }
0x11: {  	[smem:$0x3FB4] =	sst s9;
	s0 =	simm.s32 @!p0 $0x0  }
0x12: {  	s1 =	sld [smem:$0x3F9A];
	s0 =	simm.s32 @p0 $0x1  }
0x13: {  	[smem:$0x3FB5] =	sst s0;
	s0 =	simm.s32 @!p1 $0x0  }
0x14: {  	s2 =	sld [smem:$0x3F99];
	s0 =	simm.s32 @p1 $0x1  }
0x15: {  	[smem:$0x3FB6] =	sst s0;
	s0 =	simm.s32 @!p2 $0x0  }
0x16: {  	s3 =	sld [smem:$0x3FDB];
	s0 =	simm.s32 @p2 $0x1  }
0x17: {  	s4 =	simm.s32 $0x1BF5;
	[smem:$0x3FB8] =	sst s0  }
0x18: {  	s0 =	sld [smem:$0x3F9B];
	_ =	swait.ge [sflag:s4], $0x0  }
0x19: {  	s7 =	sld [smem:$0x3F9C]  }
0x1a: {  	s8 =	sadd.s32 $0xFFFFE003, lr  }
0x1b: {  	s9 =	sadd.s32 $0xFFFFFEF7, lr;
	s5 =	simm.s32 $0xFFFFFFFF;
	p2 =	slt.u32 s8, $0xFFFFF086  }
0x1c: {  	p1 =	slt.u32 s9, $0xF7A;
	s5 =	simm.s32 @!p2 $0x0  }
0x1d: {  	s5 =	simm.s32 @p1 $0x1;
	p0 =	seq.s32 s7, s2  }
0x1e: {  	s7 =	smul.u32 @!p0 $0xF7A, s2;
	p2 =	seq.s32 @!p0 s5, $0x0  }
0x1f: {  	s9 =	smul.u32 $0xF7A, s1;
	s8 =	simm.s32 @!p0 $0x1BF5;
	p2 =	por !p2, p0  }
0x20: {  	[sflag:s8] =	ssyncset.s32 @!p0 $0xFFFFF086;
	s6 =	sadd.s32 @!p0 s3, s7;
	s7 =	simm.s32 @!p0 $0x108  }
0x21: {  	s3 =	sadd.s32 s3, s9;
	s6 =	sadd.s32 @!p0 $0x88, s6;
	s7 =	simm.s32 @p2 $0x1082  }
0x22: {  	[simem:s7], [sflag:s8] =	dma.local @!p0 [hbm:s6], $0xF7A  }
0x23: {  	s9 =	sor.u32 $0xD0000000, s2;
	s6 =	simm.s32 $0x108;
	_ =	swait.ge @!p0 [sflag:s8], $0x0  }
0x24: {  	s3 =	sadd.s32 $0x88, s3;
	s6 =	simm.s32 @!p1 $0x1082;
	[sflag:s4] =	ssyncset.s32 $0xFFFFF086  }
0x25: {  	[simem:s6], [sflag:s4] =	dma.local [hbm:s3], $0xF7A  }
0x26: {  	[smem:$0x3F9C] =	sst s1;
	(tag) =	ssettag s2;
	_ =	strace s9  }
0x27: {  	s1 =	sld [smem:$0x3FAC]  }
0x28: {  	s2 =	sld [smem:$0x3FAD]  }
0x29: {  	s4 =	sld [smem:$0x3FAF]  }
0x2a: {  	p0 =	seq.s32 s5, $0x0;
	s5 =	sld [smem:$0x3FB0]  }
0x2b: {  	s6 =	sld [smem:$0x3FB1]  }
0x2c: {  	s7 =	sld [smem:$0x3FB2]  }
0x2d: {  	s3 =	simm.s32 $0x108;
	s8 =	sld [smem:$0x3FB3]  }
0x2e: {  	s3 =	simm.s32 @!p0 $0x1082;
	s9 =	sld [smem:$0x3FB4]  }
0x2f: {  	lr =	sadd.s32 s0, s3;
	s0 =	sld [smem:$0x3FAB]  }
0x30: {  	s3 =	sld [smem:$0x3FAE]  }
0x31: {  	[smem:$0x3FB7] =	sst s10  }
0x32: {  	s10 =	sld [smem:$0x3FB5];
	_ =	sdelay $0x3  }
0x33: {  	p0 =	seq.s32 s10, $0x1;
	s10 =	sld [smem:$0x3FB7];
	_ =	sdelay $0x3  }
0x34: {  	[smem:$0x3FB7] =	sst s10  }
0x35: {  	s10 =	sld [smem:$0x3FB6];
	_ =	sdelay $0x3  }
0x36: {  	p1 =	seq.s32 s10, $0x1;
	s10 =	sld [smem:$0x3FB7];
	_ =	sdelay $0x3  }
0x37: {  	[smem:$0x3FB7] =	sst s10  }
0x38: {  	s10 =	sld [smem:$0x3FB8]  }
0x39: {  	_ = 	snop;
	(pc) =	sbr.ind lr, $3  }
0x3a: {  	_ = 	snop  }
0x3b: {  	_ = 	snop  }
0x3c: {  	p2 =	seq.s32 s10, $0x1;
	s10 =	sld [smem:$0x3FB7]  }
0x3d: {  	_ =	shalt  }
0x3e: {  	_ =	shalt  }
0x3f: {  	_ =	shalt  }
0x40: {  	_ =	shalt  }
0x41: {  	_ =	shalt  }
0x42: {  	_ =	shalt  }
0x43: {  	_ =	shalt  }
0x44: {  	_ =	shalt  }
0x45: {  	_ =	shalt  }
0x46: {  	_ =	shalt  }
0x47: {  	_ =	shalt  }
0x48: {  	_ =	shalt  }
0x49: {  	_ =	shalt  }
0x4a: {  	_ =	shalt  }
0x4b: {  	_ =	shalt  }
0x4c: {  	_ =	shalt  }
0x4d: {  	_ =	shalt  }
0x4e: {  	_ =	shalt  }
0x4f: {  	_ =	shalt  }
0x50: {  	_ =	shalt  }
0x51: {  	_ =	shalt  }
0x52: {  	_ =	shalt  }
0x53: {  	_ =	shalt  }
0x54: {  	_ =	shalt  }
0x55: {  	_ =	shalt  }
0x56: {  	_ =	shalt  }
0x57: {  	_ =	shalt  }
0x58: {  	_ =	shalt  }
0x59: {  	_ =	shalt  }
0x5a: {  	_ =	shalt  }
0x5b: {  	_ =	shalt  }
0x5c: {  	_ =	shalt  }
0x5d: {  	_ =	shalt  }
0x5e: {  	_ =	shalt  }
0x5f: {  	_ =	shalt  }
0x60: {  	_ =	shalt  }
0x61: {  	_ =	shalt  }
0x62: {  	_ =	shalt  }
0x63: {  	_ =	shalt  }
0x64: {  	_ =	shalt  }
0x65: {  	_ =	shalt  }
0x66: {  	_ =	shalt  }
0x67: {  	_ =	shalt  }
0x68: {  	_ =	shalt  }
0x69: {  	_ =	shalt  }
0x6a: {  	_ =	shalt  }
0x6b: {  	_ =	shalt  }
0x6c: {  	_ =	shalt  }
0x6d: {  	_ =	shalt  }
0x6e: {  	_ =	shalt  }
0x6f: {  	_ =	shalt  }
0x70: {  	_ =	shalt  }
0x71: {  	_ =	shalt  }
0x72: {  	_ =	shalt  }
0x73: {  	_ =	shalt  }
0x74: {  	_ =	shalt  }
0x75: {  	_ =	shalt  }
0x76: {  	_ =	shalt  }
0x77: {  	_ =	shalt  }
0x78: {  	_ =	shalt  }
0x79: {  	_ =	shalt  }
0x7a: {  	_ =	shalt  }
0x7b: {  	_ =	shalt  }
0x7c: {  	_ =	shalt  }
0x7d: {  	_ =	shalt  }
0x7e: {  	_ =	shalt  }
0x7f: {  	_ =	shalt  }
0x80: {  	_ =	shalt  }
0x81: {  	_ =	shalt  }
0x82: {  	_ =	shalt  }
0x83: {  	_ =	shalt  }
0x84: {  	_ =	shalt  }
0x85: {  	_ =	shalt  }
0x86: {  	_ =	shalt  }
0x87: {  	_ =	shalt  }
.Lfunc_end0:
.L_simem_size_0:
called_computation.1_lowered:
.L_overlay_start_0:
0x88: {  	s2 =	sld [smem:$0x3FD9]  }
0x89: {  	s3 =	sld [smem:$0x3FFE];
	_ =	sdelay $0x1  }
0x8a: {  	s1 =	srdreg.scid  }
0x8b: {  	s0 =	sand.u32 $0x1, s1  }
0x8c: {  	s16 =	sshll.u32 s0, $0xA;
	s2 =	sadd.s32 s3, s2  }
0x8d: {  	s2 =	sadd.s32 s2, s16  }
0x8e: {  	[smem:$0x3FC3] =	sst s2  }
0x8f: {  	_ = 	snop  }
0x90: {  	(tm) =	ssettm $0x1  }
0x91: {  	s17 =	sld [smem:$0x3FFB];
	_ =	sdelay $0x3  }
0x92: {  	_ =	strace s17  }
0x93: {  	s2 =	sld [smem:$0x3FFC];
	_ =	sdelay $0x3  }
0x94: {  	_ =	strace s2  }
0x95: {  	s2 =	sld [smem:$0x3FFD];
	_ =	sdelay $0x3  }
0x96: {  	_ =	strace s2  }
0x97: {  	_ =	strace $0x8FFFFFFF  }
0x98: {  	s18 =	sld [smem:$0x3FDB];
	_ =	sdelay $0x1  }
0x99: {  	s19 =	simm.s32 $_scs_section_size  }
0x9a: {  	s4 =	simm.s32 $_size__tile_overlayer_lowered;
	s5 =	simm.s32 $_tile_overlayer_lowered  }
0x9b: {  	s22 =	simm.s32 $0x1BFF;
	s21 =	sshll.u32 s5, $0x1;
	s2 =	sadd.s32 s19, s18  }
0x9c: {  	s6 =	simm.s32 $0x0;
	s20 =	sshll.u32 s4, $0x1;
	s4 =	sadd.s32 s21, s2  }
0x9d: {  	[timem:s6], [sflag:s22] =	dma.local [hbm:s4], s20  }
0x9e: {  	_ =	swait.ge [sflag:s22], s20  }
0x9f: {  	s3 =	ssub.s32 $0x0, s20;
	[sflag:s22] =	ssyncset.done $0x0  }
0xa0: {  	[sflag:s22] =	ssyncadd.s32 s3;
	_ =	sdelay $0x1  }
0xa1: {  	s23 =	simm.s32 $0x1B8B  }
0xa2: {  	_ =	swait.ge [sflag:s23], $0x1  }
0xa3: {  	[sflag:s23] =	ssyncset.done $0x0  }
0xa4: {  	s25 =	simm.s32 $0x1B8E;
	s24 =	sld [smem:$0x3FFE];
	[sflag:s23] =	ssyncadd.s32 $0xFFFFFFFF  }
0xa5: {  	s26 =	simm.s32 $execute0_lowered;
	[smem:$0x3FD2] =	sst s25  }
0xa6: {  	s4 =	sshll.u32 s26, $0x1;
	_ =	strace $0x80000049;
	[dreg:$0x1] =	wrdreg $0xFFFFFFFF  }
0xa7: {  	s28 =	simm.s32 $_size_execute0_lowered;
	s2 =	sadd.s32 s2, s4;
	[dreg:$0x0] =	wrdreg $0x0  }
0xa8: {  	s4 =	sshll.u32 s28, $0x1;
	[dreg:$0x2] =	wrdreg s2  }
0xa9: {  	[dreg:$0x3] =	wrdreg s4  }
0xaa: {  	[dreg:$0x4] =	wrdreg $0xC0  }
0xab: {  	_ =	task [dreg:s6], $0x5FFFF  }
0xac: {  	[dreg:$0x1] =	wrdreg $0xFFFFFFFF  }
0xad: {  	[dreg:$0x0] =	wrdreg $0x60  }
0xae: {  	[dreg:$0x2] =	wrdreg s24  }
0xaf: {  	[dreg:$0x3] =	wrdreg $0x60000  }
0xb0: {  	[dreg:$0x4] =	wrdreg $0x124000  }
0xb1: {  	[dreg:$0x5] =	wrdreg $0x9  }
0xb2: {  	_ =	task.clear_ibuf [dreg:s6], $0x6FFFF;
	_ =	strace $0x90000049  }
0xb3: {  	s29 =	simm.s32 $0x9;
	_ =	strace $0x8000004B  }
0xb4: {  	_ =	swait.ge [sflag:s29], $0x1  }
0xb5: {  	[sflag:s29] =	ssyncadd.s32 $0xFFFFFFFF  }
0xb6: {  	_ =	strace $0x9000004B  }
0xb7: {  	_ =	sfence  }
0xb8: {  	s30 =	sld [smem:$0x0];
	_ =	sdelay $0x2  }
0xb9: {  	s31 =	sshll.u32 s1, $0xD;
	s1 =	sshrl.u32 s1, $0x2  }
0xba: {  	s3 =	sand.u32 $0x4000, s31;
	s1 =	sadd.s32 s1, s30  }
0xbb: {  	s0 =	sor.u32 s3, s0;
	s1 =	sshll.u32 s1, $0x11  }
0xbc: {  	s0 =	sor.u32 s1, s0  }
0xbd: {  	s0 =	sadd.s32 $0x8F2B, s0  }
0xbe: {  	[sflag:s0] =	ssyncadd.remote.s32 $0x1  }
0xbf: {  	_ =	sfence.sel $0xFFFF  }
0xc0: {  	[dreg:$0x0] =	wrdreg $0xFFFFFFFF;
	(pc) =	sbr.abs _section_cstart, $3  }
0xc1: {  	[dreg:$0x1] =	wrdreg $0xFFFFFFFF  }
0xc2: {  	_ =	task.clear_ibuf [dreg:s6], $0x2FFFF;
	_ =	strace $0x9FFFFFFF  }
0xc3: {  	(tm) =	ssettm $0x7FFFFFFF  }
tec
execute0_lowered:
.L_overlay_start_1:
0x0: {  	(tag) =	ssettag $0x1  }
0x1: {  	s0 =	rddreg [dreg:$0x0]  }
0x2: {  	s2 =	rddreg [dreg:$0x1]  }
0x3: {  	s3 =	rddreg [dreg:$0x2];
	s13 =	stileid.u32;
	s4 =	simm.s32 $0x0  }
0x4: {  	s5 =	srdreg.scid;
	s28 =	simm.s32 $0x5000;
	s29 =	simm.s32 $0x800  }
0x5: {  	s30 =	simm.s32 $0x200;
	s31 =	simm.s32 $0xA00;
	s1 =	smul.u32 $0xC400, s13  }
0x6: {  	[smem:$0x7FF] =	sst s4;
	s7 =	sand.u32 $0x1, s5;
	s5 =	sadd.s32 $0x10E000, s0  }
0x7: {  	s6 =	sadd.s32 $0x1D6000, s0;
	s11 =	sshll.u32 s13, $0x1;
	_ =	strace $0x8000004A  }
0x8: {  	s9 =	smul.u32 $0xC4000, s7;
	s10 =	ssub.s32 $0x2, s7;
	s7 =	sor.u32 s7, s11  }
0x9: {  	s8 =	sshrl.u32 s1, $0x3;
	s12 =	sshrl.u32 s10, $0x1;
	s7 =	smul.u32 $0x32000, s7  }
0xa: {  	s26 =	sadd.s32 s1, s2;
	s8 =	sadd.s32 s8, s0;
	s9 =	sadd.s32 s1, s9  }
0xb: {  	s25 =	ssub.s32 s10, s12;
	[dreg:$0x4] =	wrdreg s26;
	s12 =	sshll.u32 s13, $0x6  }
0xc: {  	s1 =	sadd.s32 s1, s3;
	s10 =	simm.s32 $0x0;
	s9 =	sshrl.u32 s9, $0x3  }
0xd: {  	s11 =	sadd.s32 $0x1000, s8;
	s19 =	sor.u32 $0x1C07, s12;
	s13 =	sshrl.u32 s7, $0x3  }
0xe: {  	s8 =	sadd.s32 $0x32200, s8;
	s24 =	sor.u32 $0x800, s7;
	[dreg:$0x5] =	wrdreg s11  }
0xf: {  	s25 =	smax.u32 s25, $0x1;
	s26 =	sshrl.u32 s1, $0x3;
	[dreg:$0x7] =	wrdreg s8  }
0x10: {  	s1 =	simm.s32 $0xC00;
	s12 =	simm.s32 $0x3000;
	[dreg:$0x10] =	wrdreg s24  }
0x11: {  	s0 =	sadd.s32 s9, s0;
	s14 =	sadd.s32 s5, s13;
	[dreg:$0x13] =	wrdreg s25  }
0x12: {  	s15 =	sor.u32 $0x40, s13;
	s16 =	sadd.s32 s6, s13;
	[dreg:$0x14] =	wrdreg s26  }
0x13: {  	s18 =	sor.u32 $0x80, s13;
	s21 =	sor.u32 $0xC0, s13;
	[dreg:$0x6] =	wrdreg s19  }
0x14: {  	s26 =	simm.s32 $0x7;
	s11 =	simm.s32 $0x1000;
	[dreg:$0x8] =	wrdreg s14  }
0x15: {  	s13 =	simm.s32 $0x2;
	[dreg:$0x9] =	wrdreg s16;
	s17 =	sadd.s32 s5, s15  }
0x16: {  	s8 =	sadd.s32 s6, s15;
	s20 =	sadd.s32 s5, s18;
	[dreg:$0xa] =	wrdreg s17  }
0x17: {  	s22 =	sadd.s32 s6, s18;
	s23 =	sadd.s32 s5, s21;
	[dreg:$0xb] =	wrdreg s8  }
0x18: {  	s0 =	sadd.s32 $0x4AA00, s0;
	s14 =	simm.s32 $0x2000;
	[dreg:$0xc] =	wrdreg s20  }
0x19: {  	s15 =	simm.s32 $0x4000;
	s16 =	simm.s32 $0x5;
	[dreg:$0xd] =	wrdreg s22  }
.Ltmp0:
0x1a: {  	s18 =	simm.s32 $0x6;
	[dreg:$0xe] =	wrdreg s23;
	(pc) =	sbr.rel .LBB2_1-.Ltmp0, $4  }
0x1b: {  	s8 =	sadd.s32 s6, s21;
	s20 =	sor.u32 $0xA00, s7;
	s21 =	sor.u32 $0xC00, s7  }
0x1c: {  	s7 =	sor.u32 $0xE00, s7;
	[dreg:$0x12] =	wrdreg s0;
	s0 =	simm.s32 $0x400  }
0x1d: {  	v0 =	vlaneseq.u32;
	v2 =	vimm.f32 $0.0e+00;
	s17 =	simm.s32 $0x3;
	s23 =	simm.s32 $0x4;
	[dreg:$0xf] =	wrdreg s8  }
0x1e: {  	v4 =	vimm.f32 $1.000000000e+00;
	v1 =	vmul.u32 $0x8, v0;
	v3 =	vor.u32 $0xFFFFFFF8, v0;
	[dreg:$0x11] =	wrdreg s7;
	s7 =	simm.s32 $0x600;
	s8 =	simm.s32 $0xE00  }
.LBB2_14:
0x1f: {  	[bflag:$0x0] =	sbarrier.arrive $0xFFFF  }
0x20: {  	s19 =	rddreg [dreg:$0x6]  }
0x21: {  	s9 =	rddreg [dreg:$0x12]  }
0x22: {  	s10 =	rddreg [dreg:$0x16]  }
0x23: {  	[hbm:s9], [sflag:s19] =	dma.local [spmem:s10], $0x1880  }
0x24: {  	_ =	swait.ge [sflag:s26], $0x1880  }
0x25: {  	s24 =	rddreg [dreg:$0x15]  }
0x26: {  	s25 =	rddreg [dreg:$0x13];
	s10 =	sadd.s32 $0x1, s24  }
0x27: {  	p0 =	sne.s32 s10, s25  }
.Ltmp1:
0x28: {  	_ = 	snop;
	(pc) =	sbr.rel @!p0 .LBB2_15-.Ltmp1, $3  }
0x29: {  	_ =	sdelay $0x1  }
0x2a: {  	[sflag:s26] =	ssyncset.done $0x0  }
0x2b: {  	[sflag:s26] =	ssyncadd.s32 $0xFFFFE780  }
.LBB2_1:
0x2c: {  	[dreg:$0x15] =	wrdreg s10  }
0x2d: {  	s9 =	rddreg [dreg:$0x4]  }
0x2e: {  	s25 =	rddreg [dreg:$0x5];
	s24 =	sshrl.u32 s9, $0x3  }
0x2f: {  	[dreg:$0x16] =	wrdreg s24  }
0x30: {  	[spmem:s24], [sflag:s19] =	dma.local [hbm:s25], $0x1880  }
0x31: {  	v5 =	vmov s4;
	_ =	swait.ge [sflag:s26], $0x1880  }
0x32: {  	v5 =	vshll.u32 v5, $0x3;
	[sflag:s26] =	ssyncset.done $0x0;
	s22 =	rddreg [dreg:$0x7]  }
0x33: {  	v6 =	vor.u32 v1, v5;
	s24 =	rddreg [dreg:$0x14];
	[sflag:s26] =	ssyncadd.s32 $0xFFFFE780  }
0x34: {  	v5 =	vor.u32 $0x2, v6;
	[spmem:s24], [sflag:s19] =	dma.local [hbm:s22], $0x1880  }
0x35: {  	v7 =	vor.u32 $0x3, v6;
	_ =	swait.ge [sflag:s26], $0x1880  }
0x36: {  	s25 =	simm.s32 $0x10;
	[sflag:s26] =	ssyncset.done $0x0  }
0x37: {  	v10 =	vor.u32 $0x4, v6;
	v8 =	vmov s25;
	[sflag:s26] =	ssyncadd.s32 $0xFFFFE780  }
0x38: {  	v12 =	vor.u32 $0x5, v6;
	v8 =	vshll.u32 v8, $0x3;
	[bflag:$0x0] =	sbarrier.arrive $0xFFFF  }
0x39: {  	[tilespmem:v5+s28+$0x0] =	vst.idx.msk $0xffff, v2;
	v5 =	vor.u32 v1, v8;
	v8 =	vor.u32 $0x6, v6  }
0x3a: {  	[tilespmem:v7+s28+$0x0] =	vst.idx.msk $0xffff, v2;
	v7 =	vor.u32 $0x7, v6  }
0x3b: {  	v9 =	vor.u32 $0x2, v5  }
0x3c: {  	[tilespmem:v10+s28+$0x0] =	vst.idx.msk $0xffff, v2;
	v10 =	vor.u32 $0x3, v5  }
0x3d: {  	s9 =	simm.s32 $0x20;
	v6 =	vor.u32 $0x5, v5;
	v11 =	vor.u32 $0x4, v5;
	[tilespmem:v12+s28+$0x0] =	vst.idx.msk $0xffff, v2  }
.LBB2_2:
0x3e: {  	v12 =	vmov s9;
	p0 =	sne.s32 s9, $0x1F0;
	s9 =	sadd.s32 $0x10, s9;
	[tilespmem:v8+s28+$0x0] =	vst.idx.msk $0xffff, v2  }
.Ltmp2:
0x3f: {  	v8 =	vor.u32 $0x6, v5;
	v12 =	vshll.u32 v12, $0x3;
	[tilespmem:v7+s28+$0x0] =	vst.idx.msk $0xffff, v2;
	(pc) =	sbr.rel @p0 .LBB2_2-.Ltmp2, $4  }
0x40: {  	v7 =	vor.u32 $0x7, v5;
	[tilespmem:v9+s28+$0x0] =	vst.idx.msk $0xffff, v2;
	v5 =	vor.u32 v1, v12  }
0x41: {  	v9 =	vor.u32 $0x2, v5;
	v12 =	vor.u32 $0x5, v5;
	[tilespmem:v10+s28+$0x0] =	vst.idx.msk $0xffff, v2  }
0x42: {  	v10 =	vor.u32 $0x3, v5;
	[tilespmem:v11+s28+$0x0] =	vst.idx.msk $0xffff, v2  }
0x43: {  	v11 =	vor.u32 $0x4, v5;
	[tilespmem:v6+s28+$0x0] =	vst.idx.msk $0xffff, v2;
	v6 =	vmov v12  }
0x44: {  	_ =	sdelay $0x3  }
0x45: {  	[tilespmem:v8+s28+$0x0] =	vst.idx.msk $0xffff, v2  }
0x46: {  	v63 =	vor.u32 $0x6, v5;
	[tilespmem:v7+s28+$0x0] =	vst.idx.msk $0xffff, v2  }
0x47: {  	v5 =	vor.u32 $0x7, v5;
	[tilespmem:v9+s28+$0x0] =	vst.idx.msk $0xffff, v2  }
0x48: {  	[tilespmem:v10+s28+$0x0] =	vst.idx.msk $0xffff, v2  }
0x49: {  	[tilespmem:v11+s28+$0x0] =	vst.idx.msk $0xffff, v2  }
0x4a: {  	[tilespmem:v6+s28+$0x0] =	vst.idx.msk $0xffff, v2  }
0x4b: {  	[tilespmem:v63+s28+$0x0] =	vst.idx.msk $0xffff, v2  }
0x4c: {  	s10 =	simm.s32 $0x0;
	s9 =	rddreg [dreg:$0x8];
	[tilespmem:v5+s28+$0x0] =	vst.idx.msk $0xffff, v2  }
0x4d: {  	[tilespmem:s10], [sflag:$0x1] =	stream.linear.gather [hbm4b:s9+s10], $0x200, $0x38;
	[tilespmem:$0x1E800] =	vst v63  }
0x4e: {  	s19 =	rddreg [dreg:$0x9]  }
0x4f: {  	[tilespmem:s29], [sflag:$0x1] =	stream.linear.gather [hbm4b:s19+s10], $0x200, $0x38;
	[tilespmem:$0x1E800] =	vst v63  }
0x50: {  	s22 =	rddreg [dreg:$0xa]  }
0x51: {  	[tilespmem:s30], [sflag:$0x2] =	stream.linear.gather [hbm4b:s22+s10], $0x200, $0x38;
	[tilespmem:$0x1E800] =	vst v63  }
0x52: {  	s24 =	rddreg [dreg:$0xb]  }
0x53: {  	[tilespmem:s31], [sflag:$0x2] =	stream.linear.gather [hbm4b:s24+s10], $0x200, $0x38;
	[tilespmem:$0x1E800] =	vst v63  }
0x54: {  	s25 =	rddreg [dreg:$0xc]  }
0x55: {  	[tilespmem:s0], [sflag:$0x3] =	stream.linear.gather [hbm4b:s25+s10], $0x200, $0x38;
	[tilespmem:$0x1E800] =	vst v63  }
0x56: {  	s19 =	rddreg [dreg:$0xd]  }
0x57: {  	[tilespmem:s1], [sflag:$0x3] =	stream.linear.gather [hbm4b:s19+s10], $0x200, $0x38;
	[tilespmem:$0x1E800] =	vst v63  }
0x58: {  	s22 =	rddreg [dreg:$0xe]  }
0x59: {  	[tilespmem:s7], [sflag:$0x4] =	stream.linear.gather [hbm4b:s22+s10], $0x200, $0x38;
	[tilespmem:$0x1E800] =	vst v63  }
0x5a: {  	s24 =	rddreg [dreg:$0xf];
	s25 =	simm.s32 $0x1  }
0x5b: {  	[tilespmem:s8], [sflag:$0x4] =	stream.linear.gather [hbm4b:s24+s10], $0x200, $0x38;
	[tilespmem:$0x1E800] =	vst v63  }
0x5c: {  	_ =	swait.ge [sflag:s25], $0x200  }
0x5d: {  	[sflag:s25] =	ssyncset.done $0x0  }
0x5e: {  	[sflag:s25] =	ssyncadd.s32 $0xFFFFFE00  }
0x5f: {  	_ =	swait.ge [sflag:s25], $0x200  }
0x60: {  	[sflag:s25] =	ssyncset.done $0x0  }
0x61: {  	[sflag:s25] =	ssyncadd.s32 $0xFFFFFE00  }
0x62: {  	[tilespmem:s11], [sflag:$0x5] =	stream.indirect.gather [spmem:s3], $0x8, s10, s30, $0xb8;
	[tilespmem:$0x1E800] =	vst v63  }
0x63: {  	_ = 	snop  }
0x64: {  	[tilespmem:s12], [sflag:$0x5] =	stream.indirect.gather [spmem:s3], $0x8, s29, s30, $0xb8;
	[tilespmem:$0x1E800] =	vst v63  }
0x65: {  	_ =	swait.ge [sflag:s13], $0x200  }
0x66: {  	[sflag:s13] =	ssyncset.done $0x0  }
0x67: {  	[sflag:s13] =	ssyncadd.s32 $0xFFFFFE00  }
0x68: {  	_ =	swait.ge [sflag:s13], $0x200  }
0x69: {  	[sflag:s13] =	ssyncset.done $0x0  }
0x6a: {  	[sflag:s13] =	ssyncadd.s32 $0xFFFFFE00  }
0x6b: {  	[tilespmem:s14], [sflag:$0x6] =	stream.indirect.gather [spmem:s3], $0x8, s30, s30, $0xb8;
	[tilespmem:$0x1E800] =	vst v63  }
0x6c: {  	s10 =	simm.s32 $0x0  }
0x6d: {  	[tilespmem:s15], [sflag:$0x6] =	stream.indirect.gather [spmem:s3], $0x8, s31, s30, $0xb8;
	[tilespmem:$0x1E800] =	vst v63  }
.LBB2_4:
0x6e: {  	s9 =	simm.s32 $0x0  }
0x6f: {  	_ =	swait.ge [sflag:s16], $0x1000;
	v7 =	vor.u32 s9, v0  }
0x70: {  	[sflag:s16] =	ssyncset.done $0x0;
	v5 =	vshll.u32 v7, $0x3  }
0x71: {  	[sflag:s16] =	ssyncadd.s32 $0xFFFFF000  }
0x72: {  	v6 =	vor.u32 $0x1, v5;
	_ =	swait.ge [sflag:s16], $0x1000  }
0x73: {  	[sflag:s16] =	ssyncset.done $0x0  }
0x74: {  	[sflag:s16] =	ssyncadd.s32 $0xFFFFF000  }
0x75: {  	v10 =	vld.idx.msk [tilespmem:v5+s12+$0x0], $0xffff  }
0x76: {  	v11 =	vld.idx.msk [tilespmem:v5+s11+$0x0], $0xffff  }
0x77: {  	v7 =	vand.u32 v3, v7;
	v8 =	vld.idx.msk [tilespmem:v6+s12+$0x0], $0xffff  }
0x78: {  	v9 =	vld.idx.msk [tilespmem:v6+s11+$0x0], $0xffff;
	_ =	sdelay $0x3  }
0x79: {  	v12 =	vld.idx.msk [tilespmem:v7+s29+$0x0], $0xffff  }
0x7a: {  	v7 =	vld.idx.msk [tilespmem:v7+s4+$0x0], $0xffff;
	v10 =	vsub.f32 v10, v11;
	v8 =	vsub.f32 v8, v9;
	_ =	sdelay $0x1  }
0x7b: {  	v9 =	vmul.f32 v10, v10;
	v11 =	vmul.f32 v8, v8;
	_ =	sdelay $0x1  }
0x7c: {  	v9 =	vadd.f32 v11, v9  }
0x7d: {  	vm0 =	veq.s32 v7, v12  }
0x7e: {  	v13 =	vor.u32 $0x5, v5;
	v9 =	vsel vm0, $0x3F800000, v9  }
0x7f: {  	v11 =	vor.u32 $0x6, v5;
	(erf) = vrcp.f32 v9  }
0x80: {  	v62 =	vor.u32 $0x4, v5  }
0x81: {  	v7 =	vor.u32 $0x3, v5  }
0x82: {  	v9 =	vor.u32 $0x2, v5  }
0x83: {  	v13 =	vld.idx.msk [tilespmem:v13+s11+$0x0], $0xffff  }
0x84: {  	v11 =	vld.idx.msk [tilespmem:v11+s11+$0x0], $0xffff  }
0x85: {  	v12 =	vld.idx.msk [tilespmem:v62+s11+$0x0], $0xffff  }
0x86: {  	v14 =	vld.idx.msk [tilespmem:v7+s12+$0x0], $0xffff  }
0x87: {  	v15 =	vld.idx.msk [tilespmem:v9+s11+$0x0], $0xffff  }
0x88: {  	v9 =	vld.idx.msk [tilespmem:v9+s12+$0x0], $0xffff;
	v16 =	vpop (erf)  }
0x89: {  	v7 =	vld.idx.msk [tilespmem:v7+s11+$0x0], $0xffff;
	v11 =	vmul.f32 v16, v11;
	_ =	sdelay $0x1  }
0x8a: {  	v11 =	vsub.f32 v12, v11  }
0x8b: {  	v63 =	vsel vm0, $0x0, v4  }
0x8c: {  	v9 =	vsub.f32 v9, v15;
	v12 =	vmul.f32 v13, v63;
	v11 =	vmul.f32 v11, v63  }
0x8d: {  	v7 =	vsub.f32 v14, v7  }
0x8e: {  	s24 =	simm.s32 $0x10;
	v13 =	vmul.f32 v9, v12;
	v10 =	vmul.f32 v11, v10  }
0x8f: {  	v9 =	vor.u32 s24, v0;
	v12 =	vmul.f32 v7, v12;
	v11 =	vmul.f32 v11, v8  }
0x90: {  	v7 =	vshll.u32 v9, $0x3;
	v10 =	vadd.f32 v10, v13  }
0x91: {  	s25 =	simm.s32 $0x20;
	v8 =	vor.u32 $0x1, v7;
	v11 =	vadd.f32 v11, v12  }
.LBB2_5:
0x92: {  	p0 =	sne.s32 s25, $0x1F0;
	[tilespmem:v5+s28+$0x0] =	vst.idx.msk $0xffff, v10;
	v5 =	vmov v7  }
0x93: {  	[tilespmem:v6+s28+$0x0] =	vst.idx.msk $0xffff, v11;
	v6 =	vmov v8  }
0x94: {  	v10 =	vld.idx.msk [tilespmem:v8+s12+$0x0], $0xffff  }
0x95: {  	v8 =	vld.idx.msk [tilespmem:v8+s11+$0x0], $0xffff  }
0x96: {  	v9 =	vand.u32 v3, v9;
	v7 =	vld.idx.msk [tilespmem:v7+s12+$0x0], $0xffff  }
0x97: {  	v11 =	vld.idx.msk [tilespmem:v5+s11+$0x0], $0xffff;
	_ =	sdelay $0x3  }
0x98: {  	v12 =	vld.idx.msk [tilespmem:v9+s29+$0x0], $0xffff  }
0x99: {  	v9 =	vld.idx.msk [tilespmem:v9+s4+$0x0], $0xffff  }
0x9a: {  	v10 =	vsub.f32 v10, v8;
	v11 =	vsub.f32 v7, v11;
	_ =	sdelay $0x1  }
0x9b: {  	v8 =	vmul.f32 v10, v10;
	v7 =	vmul.f32 v11, v11;
	_ =	sdelay $0x1  }
0x9c: {  	v7 =	vadd.f32 v8, v7  }
0x9d: {  	v8 =	vor.u32 $0x3, v5;
	vm0 =	veq.s32 v9, v12  }
0x9e: {  	v9 =	vor.u32 $0x6, v5;
	v7 =	vsel vm0, $0x3F800000, v7  }
0x9f: {  	v12 =	vor.u32 $0x2, v5;
	(erf) = vrcp.f32 v7  }
0xa0: {  	v7 =	vor.u32 $0x4, v5;
	_ =	sdelay $0x1  }
0xa1: {  	v13 =	vor.u32 $0x5, v5;
	v14 =	vld.idx.msk [tilespmem:v8+s12+$0x0], $0xffff  }
0xa2: {  	v9 =	vld.idx.msk [tilespmem:v9+s11+$0x0], $0xffff  }
0xa3: {  	v15 =	vld.idx.msk [tilespmem:v12+s11+$0x0], $0xffff  }
0xa4: {  	v7 =	vld.idx.msk [tilespmem:v7+s11+$0x0], $0xffff  }
0xa5: {  	v12 =	vld.idx.msk [tilespmem:v12+s12+$0x0], $0xffff  }
0xa6: {  	v13 =	vld.idx.msk [tilespmem:v13+s11+$0x0], $0xffff  }
0xa7: {  	v8 =	vld.idx.msk [tilespmem:v8+s11+$0x0], $0xffff;
	v16 =	vpop (erf)  }
0xa8: {  	v9 =	vmul.f32 v16, v9;
	_ =	sdelay $0x1  }
0xa9: {  	v7 =	vsub.f32 v7, v9  }
0xaa: {  	v9 =	vsel vm0, $0x0, v4  }
0xab: {  	v12 =	vsub.f32 v12, v15;
	v13 =	vmul.f32 v13, v9;
	v16 =	vmul.f32 v7, v9  }
.Ltmp3:
0xac: {  	v9 =	vor.u32 s25, v0;
	v14 =	vsub.f32 v14, v8;
	(pc) =	sbr.rel @p0 .LBB2_5-.Ltmp3, $4  }
0xad: {  	v7 =	vshll.u32 v9, $0x3;
	v12 =	vmul.f32 v12, v13;
	v11 =	vmul.f32 v16, v11  }
0xae: {  	v8 =	vor.u32 $0x1, v7;
	v15 =	vmul.f32 v16, v10;
	v13 =	vmul.f32 v14, v13  }
0xaf: {  	v10 =	vadd.f32 v11, v12  }
0xb0: {  	s25 =	sadd.s32 $0x10, s25;
	v11 =	vadd.f32 v15, v13  }
0xb1: {  	_ =	sdelay $0x3  }
0xb2: {  	[tilespmem:v5+s28+$0x0] =	vst.idx.msk $0xffff, v10  }
0xb3: {  	[tilespmem:v6+s28+$0x0] =	vst.idx.msk $0xffff, v11  }
0xb4: {  	v5 =	vld.idx.msk [tilespmem:v8+s12+$0x0], $0xffff  }
0xb5: {  	v6 =	vld.idx.msk [tilespmem:v8+s11+$0x0], $0xffff  }
0xb6: {  	v9 =	vand.u32 v3, v9;
	v10 =	vld.idx.msk [tilespmem:v7+s12+$0x0], $0xffff  }
0xb7: {  	v11 =	vld.idx.msk [tilespmem:v7+s11+$0x0], $0xffff;
	_ =	sdelay $0x3  }
0xb8: {  	v12 =	vld.idx.msk [tilespmem:v9+s29+$0x0], $0xffff  }
0xb9: {  	v9 =	vld.idx.msk [tilespmem:v9+s4+$0x0], $0xffff;
	v10 =	vsub.f32 v10, v11;
	v5 =	vsub.f32 v5, v6;
	_ =	sdelay $0x1  }
0xba: {  	v6 =	vmul.f32 v10, v10;
	v11 =	vmul.f32 v5, v5;
	_ =	sdelay $0x1  }
0xbb: {  	v6 =	vadd.f32 v11, v6  }
0xbc: {  	vm0 =	veq.s32 v9, v12  }
0xbd: {  	v13 =	vor.u32 $0x5, v7;
	v6 =	vsel vm0, $0x3F800000, v6  }
0xbe: {  	v11 =	vor.u32 $0x6, v7;
	(erf) = vrcp.f32 v6  }
0xbf: {  	v55 =	vor.u32 $0x4, v7  }
0xc0: {  	v9 =	vor.u32 $0x3, v7  }
0xc1: {  	v6 =	vor.u32 $0x2, v7  }
0xc2: {  	v13 =	vld.idx.msk [tilespmem:v13+s11+$0x0], $0xffff  }
0xc3: {  	v11 =	vld.idx.msk [tilespmem:v11+s11+$0x0], $0xffff  }
0xc4: {  	v12 =	vld.idx.msk [tilespmem:v55+s11+$0x0], $0xffff  }
0xc5: {  	v14 =	vld.idx.msk [tilespmem:v9+s12+$0x0], $0xffff  }
0xc6: {  	v15 =	vld.idx.msk [tilespmem:v6+s11+$0x0], $0xffff  }
0xc7: {  	v6 =	vld.idx.msk [tilespmem:v6+s12+$0x0], $0xffff;
	v16 =	vpop (erf)  }
0xc8: {  	v9 =	vld.idx.msk [tilespmem:v9+s11+$0x0], $0xffff;
	v11 =	vmul.f32 v16, v11;
	_ =	sdelay $0x1  }
0xc9: {  	v11 =	vsub.f32 v12, v11  }
0xca: {  	v56 =	vsel vm0, $0x0, v4  }
0xcb: {  	v6 =	vsub.f32 v6, v15;
	v12 =	vmul.f32 v13, v56;
	v11 =	vmul.f32 v11, v56  }
0xcc: {  	v9 =	vsub.f32 v14, v9  }
0xcd: {  	v6 =	vmul.f32 v6, v12;
	v10 =	vmul.f32 v11, v10  }
0xce: {  	v9 =	vmul.f32 v9, v12;
	v5 =	vmul.f32 v11, v5  }
0xcf: {  	v6 =	vadd.f32 v10, v6  }
0xd0: {  	v5 =	vadd.f32 v5, v9  }
0xd1: {  	[tilespmem:v7+s28+$0x0] =	vst.idx.msk $0xffff, v6  }
0xd2: {  	[tilespmem:v8+s28+$0x0] =	vst.idx.msk $0xffff, v5  }
0xd3: {  	[spmem:s2] =	stream.indirect.scatter.add.f32 [tilespmem:s28], [sflag:$0x7], $0x8, s4, s30, $0xb8;
	[tilespmem:$0x1E800] =	vst v63  }
0xd4: {  	_ =	swait.ge [sflag:s26], $0x1000  }
0xd5: {  	s25 =	sshll.u32 s10, $0xB;
	p0 =	seq.s32 s10, $0x63;
	s9 =	rddreg [dreg:$0x10]  }
0xd6: {  	s24 =	sadd.s32 @!p0 s25, s9  }
0xd7: {  	[sflag:s26] =	ssyncset.done $0x0;
	s24 =	sshrl.u32 @!p0 s24, $0x3  }
0xd8: {  	s22 =	simm.s32 @!p0 $0x0;
	[sflag:s26] =	ssyncadd.s32 $0xFFFFF000;
	s9 =	sadd.s32 @!p0 s5, s24  }
0xd9: {  	[tilespmem:s22], [sflag:$0x1] =	stream.linear.gather @!p0 [hbm4b:s9+s22], $0x200, $0x38;
	[tilespmem:$0x1E800] =	vst v63  }
0xda: {  	s9 =	sadd.s32 @!p0 s6, s24;
	s24 =	simm.s32 @!p0 $0x800  }
0xdb: {  	[tilespmem:s24], [sflag:$0x1] =	stream.linear.gather @!p0 [hbm4b:s9+s22], $0x200, $0x38;
	[tilespmem:$0x1E800] =	vst v63  }
0xdc: {  	_ =	swait.ge [sflag:s17], $0x200  }
0xdd: {  	[sflag:s17] =	ssyncset.done $0x0  }
0xde: {  	[sflag:s17] =	ssyncadd.s32 $0xFFFFFE00  }
0xdf: {  	_ =	swait.ge [sflag:s17], $0x200  }
0xe0: {  	[sflag:s17] =	ssyncset.done $0x0  }
0xe1: {  	[sflag:s17] =	ssyncadd.s32 $0xFFFFFE00  }
0xe2: {  	[tilespmem:s11], [sflag:$0x5] =	stream.indirect.gather [spmem:s3], $0x8, s0, s30, $0xb8;
	[tilespmem:$0x1E800] =	vst v63  }
0xe3: {  	s22 =	simm.s32 $0x0  }
0xe4: {  	v7 =	vor.u32 s22, v0;
	[tilespmem:s12], [sflag:$0x5] =	stream.indirect.gather [spmem:s3], $0x8, s1, s30, $0xb8;
	[tilespmem:$0x1E800] =	vst v63  }
0xe5: {  	v5 =	vshll.u32 v7, $0x3;
	_ =	swait.ge [sflag:s18], $0x1000  }
0xe6: {  	v6 =	vor.u32 $0x1, v5;
	[sflag:s18] =	ssyncset.done $0x0  }
0xe7: {  	[sflag:s18] =	ssyncadd.s32 $0xFFFFF000  }
0xe8: {  	_ =	swait.ge [sflag:s18], $0x1000  }
0xe9: {  	[sflag:s18] =	ssyncset.done $0x0  }
0xea: {  	[sflag:s18] =	ssyncadd.s32 $0xFFFFF000  }
0xeb: {  	v8 =	vld.idx.msk [tilespmem:v6+s15+$0x0], $0xffff  }
0xec: {  	v9 =	vld.idx.msk [tilespmem:v6+s14+$0x0], $0xffff  }
0xed: {  	v7 =	vand.u32 v3, v7;
	v10 =	vld.idx.msk [tilespmem:v5+s15+$0x0], $0xffff  }
0xee: {  	v11 =	vld.idx.msk [tilespmem:v5+s14+$0x0], $0xffff;
	_ =	sdelay $0x3  }
0xef: {  	v57 =	vld.idx.msk [tilespmem:v7+s31+$0x0], $0xffff  }
0xf0: {  	v7 =	vld.idx.msk [tilespmem:v7+s30+$0x0], $0xffff;
	v10 =	vsub.f32 v10, v11;
	v8 =	vsub.f32 v8, v9;
	_ =	sdelay $0x1  }
0xf1: {  	v9 =	vmul.f32 v10, v10;
	v11 =	vmul.f32 v8, v8;
	_ =	sdelay $0x1  }
0xf2: {  	v9 =	vadd.f32 v11, v9  }
0xf3: {  	vm15 =	veq.s32 v7, v57  }
0xf4: {  	v58 =	vor.u32 $0x4, v5;
	v9 =	vsel vm15, $0x3F800000, v9  }
0xf5: {  	v11 =	vor.u32 $0x6, v5;
	(erf) = vrcp.f32 v9  }
0xf6: {  	v59 =	vor.u32 $0x5, v5  }
0xf7: {  	v7 =	vor.u32 $0x3, v5  }
0xf8: {  	v9 =	vor.u32 $0x2, v5  }
0xf9: {  	v12 =	vld.idx.msk [tilespmem:v58+s14+$0x0], $0xffff  }
0xfa: {  	v11 =	vld.idx.msk [tilespmem:v11+s14+$0x0], $0xffff  }
0xfb: {  	v13 =	vld.idx.msk [tilespmem:v59+s14+$0x0], $0xffff  }
0xfc: {  	v60 =	vld.idx.msk [tilespmem:v7+s15+$0x0], $0xffff  }
0xfd: {  	v61 =	vld.idx.msk [tilespmem:v9+s14+$0x0], $0xffff  }
0xfe: {  	v9 =	vld.idx.msk [tilespmem:v9+s15+$0x0], $0xffff;
	v62 =	vpop (erf)  }
0xff: {  	v7 =	vld.idx.msk [tilespmem:v7+s14+$0x0], $0xffff;
	v11 =	vmul.f32 v62, v11;
	_ =	sdelay $0x1  }
0x100: {  	v11 =	vsub.f32 v12, v11  }
0x101: {  	v63 =	vsel vm15, $0x0, v4  }
0x102: {  	v9 =	vsub.f32 v9, v61;
	v12 =	vmul.f32 v13, v63;
	v11 =	vmul.f32 v11, v63  }
0x103: {  	v7 =	vsub.f32 v60, v7  }
0x104: {  	s24 =	simm.s32 $0x10;
	v13 =	vmul.f32 v9, v12;
	v10 =	vmul.f32 v11, v10  }
0x105: {  	v9 =	vor.u32 s24, v0;
	v12 =	vmul.f32 v7, v12;
	v11 =	vmul.f32 v11, v8  }
0x106: {  	v7 =	vshll.u32 v9, $0x3;
	v10 =	vadd.f32 v10, v13  }
0x107: {  	s24 =	simm.s32 $0x20;
	v8 =	vor.u32 $0x1, v7;
	v11 =	vadd.f32 v11, v12  }
.LBB2_7:
0x108: {  	p1 =	sne.s32 s24, $0x1F0;
	[tilespmem:v5+s28+$0x0] =	vst.idx.msk $0xffff, v10;
	v5 =	vmov v7  }
0x109: {  	[tilespmem:v6+s28+$0x0] =	vst.idx.msk $0xffff, v11;
	v6 =	vmov v8  }
0x10a: {  	v10 =	vld.idx.msk [tilespmem:v8+s15+$0x0], $0xffff  }
0x10b: {  	v8 =	vld.idx.msk [tilespmem:v8+s14+$0x0], $0xffff  }
0x10c: {  	v9 =	vand.u32 v3, v9;
	v7 =	vld.idx.msk [tilespmem:v7+s15+$0x0], $0xffff  }
0x10d: {  	v11 =	vld.idx.msk [tilespmem:v5+s14+$0x0], $0xffff;
	_ =	sdelay $0x3  }
0x10e: {  	v12 =	vld.idx.msk [tilespmem:v9+s31+$0x0], $0xffff  }
0x10f: {  	v9 =	vld.idx.msk [tilespmem:v9+s30+$0x0], $0xffff  }
0x110: {  	v10 =	vsub.f32 v10, v8;
	v11 =	vsub.f32 v7, v11;
	_ =	sdelay $0x1  }
0x111: {  	v8 =	vmul.f32 v10, v10;
	v7 =	vmul.f32 v11, v11;
	_ =	sdelay $0x1  }
0x112: {  	v7 =	vadd.f32 v8, v7  }
0x113: {  	v8 =	vor.u32 $0x3, v5;
	vm0 =	veq.s32 v9, v12  }
0x114: {  	v9 =	vor.u32 $0x6, v5;
	v7 =	vsel vm0, $0x3F800000, v7  }
0x115: {  	v12 =	vor.u32 $0x2, v5;
	(erf) = vrcp.f32 v7  }
0x116: {  	v7 =	vor.u32 $0x4, v5;
	_ =	sdelay $0x1  }
0x117: {  	v13 =	vor.u32 $0x5, v5;
	v14 =	vld.idx.msk [tilespmem:v8+s15+$0x0], $0xffff  }
0x118: {  	v9 =	vld.idx.msk [tilespmem:v9+s14+$0x0], $0xffff  }
0x119: {  	v15 =	vld.idx.msk [tilespmem:v12+s14+$0x0], $0xffff  }
0x11a: {  	v7 =	vld.idx.msk [tilespmem:v7+s14+$0x0], $0xffff  }
0x11b: {  	v12 =	vld.idx.msk [tilespmem:v12+s15+$0x0], $0xffff  }
0x11c: {  	v13 =	vld.idx.msk [tilespmem:v13+s14+$0x0], $0xffff  }
0x11d: {  	v8 =	vld.idx.msk [tilespmem:v8+s14+$0x0], $0xffff;
	v16 =	vpop (erf)  }
0x11e: {  	v9 =	vmul.f32 v16, v9;
	_ =	sdelay $0x1  }
0x11f: {  	v7 =	vsub.f32 v7, v9  }
0x120: {  	v9 =	vsel vm0, $0x0, v4  }
0x121: {  	v12 =	vsub.f32 v12, v15;
	v13 =	vmul.f32 v13, v9;
	v16 =	vmul.f32 v7, v9  }
.Ltmp4:
0x122: {  	v9 =	vor.u32 s24, v0;
	v14 =	vsub.f32 v14, v8;
	(pc) =	sbr.rel @p1 .LBB2_7-.Ltmp4, $4  }
0x123: {  	v7 =	vshll.u32 v9, $0x3;
	v12 =	vmul.f32 v12, v13;
	v11 =	vmul.f32 v16, v11  }
0x124: {  	v8 =	vor.u32 $0x1, v7;
	v15 =	vmul.f32 v16, v10;
	v13 =	vmul.f32 v14, v13  }
0x125: {  	v10 =	vadd.f32 v11, v12  }
0x126: {  	s24 =	sadd.s32 $0x10, s24;
	v11 =	vadd.f32 v15, v13  }
0x127: {  	_ =	sdelay $0x3  }
0x128: {  	[tilespmem:v5+s28+$0x0] =	vst.idx.msk $0xffff, v10  }
0x129: {  	[tilespmem:v6+s28+$0x0] =	vst.idx.msk $0xffff, v11  }
0x12a: {  	v5 =	vld.idx.msk [tilespmem:v8+s15+$0x0], $0xffff  }
0x12b: {  	v6 =	vld.idx.msk [tilespmem:v8+s14+$0x0], $0xffff  }
0x12c: {  	v9 =	vand.u32 v3, v9;
	v10 =	vld.idx.msk [tilespmem:v7+s15+$0x0], $0xffff  }
0x12d: {  	v11 =	vld.idx.msk [tilespmem:v7+s14+$0x0], $0xffff;
	_ =	sdelay $0x3  }
0x12e: {  	v12 =	vld.idx.msk [tilespmem:v9+s31+$0x0], $0xffff  }
0x12f: {  	v9 =	vld.idx.msk [tilespmem:v9+s30+$0x0], $0xffff;
	v10 =	vsub.f32 v10, v11;
	v5 =	vsub.f32 v5, v6;
	_ =	sdelay $0x1  }
0x130: {  	v6 =	vmul.f32 v10, v10;
	v11 =	vmul.f32 v5, v5;
	_ =	sdelay $0x1  }
0x131: {  	v6 =	vadd.f32 v11, v6  }
0x132: {  	vm0 =	veq.s32 v9, v12  }
0x133: {  	v13 =	vor.u32 $0x5, v7;
	v6 =	vsel vm0, $0x3F800000, v6  }
0x134: {  	v11 =	vor.u32 $0x6, v7;
	(erf) = vrcp.f32 v6  }
0x135: {  	v55 =	vor.u32 $0x4, v7  }
0x136: {  	v9 =	vor.u32 $0x3, v7  }
0x137: {  	v6 =	vor.u32 $0x2, v7  }
0x138: {  	v13 =	vld.idx.msk [tilespmem:v13+s14+$0x0], $0xffff  }
0x139: {  	v11 =	vld.idx.msk [tilespmem:v11+s14+$0x0], $0xffff  }
0x13a: {  	v12 =	vld.idx.msk [tilespmem:v55+s14+$0x0], $0xffff  }
0x13b: {  	v14 =	vld.idx.msk [tilespmem:v9+s15+$0x0], $0xffff  }
0x13c: {  	v15 =	vld.idx.msk [tilespmem:v6+s14+$0x0], $0xffff  }
0x13d: {  	v6 =	vld.idx.msk [tilespmem:v6+s15+$0x0], $0xffff;
	v16 =	vpop (erf)  }
0x13e: {  	v9 =	vld.idx.msk [tilespmem:v9+s14+$0x0], $0xffff;
	v11 =	vmul.f32 v16, v11;
	_ =	sdelay $0x1  }
0x13f: {  	v11 =	vsub.f32 v12, v11  }
0x140: {  	v56 =	vsel vm0, $0x0, v4  }
0x141: {  	v6 =	vsub.f32 v6, v15;
	v12 =	vmul.f32 v13, v56;
	v11 =	vmul.f32 v11, v56  }
0x142: {  	v9 =	vsub.f32 v14, v9  }
0x143: {  	v6 =	vmul.f32 v6, v12;
	v10 =	vmul.f32 v11, v10  }
0x144: {  	v9 =	vmul.f32 v9, v12;
	v5 =	vmul.f32 v11, v5  }
0x145: {  	v6 =	vadd.f32 v10, v6  }
0x146: {  	v5 =	vadd.f32 v5, v9  }
0x147: {  	[tilespmem:v7+s28+$0x0] =	vst.idx.msk $0xffff, v6  }
0x148: {  	[tilespmem:v8+s28+$0x0] =	vst.idx.msk $0xffff, v5  }
0x149: {  	[spmem:s2] =	stream.indirect.scatter.add.f32 [tilespmem:s28], [sflag:$0x7], $0x8, s30, s30, $0xb8;
	[tilespmem:$0x1E800] =	vst v63  }
0x14a: {  	s9 =	sadd.s32 @!p0 s25, s20;
	_ =	swait.ge [sflag:s26], $0x1000  }
0x14b: {  	s24 =	simm.s32 @!p0 $0x0;
	s9 =	sshrl.u32 @!p0 s9, $0x3;
	[sflag:s26] =	ssyncset.done $0x0  }
0x14c: {  	s19 =	simm.s32 @!p0 $0x200;
	s22 =	sadd.s32 @!p0 s5, s9;
	[sflag:s26] =	ssyncadd.s32 $0xFFFFF000  }
0x14d: {  	[tilespmem:s19], [sflag:$0x2] =	stream.linear.gather @!p0 [hbm4b:s22+s24], $0x200, $0x38;
	[tilespmem:$0x1E800] =	vst v63  }
0x14e: {  	s9 =	sadd.s32 @!p0 s6, s9;
	s19 =	simm.s32 @!p0 $0xA00  }
0x14f: {  	[tilespmem:s19], [sflag:$0x2] =	stream.linear.gather @!p0 [hbm4b:s9+s24], $0x200, $0x38;
	[tilespmem:$0x1E800] =	vst v63  }
0x150: {  	_ =	swait.ge [sflag:s23], $0x200  }
0x151: {  	[sflag:s23] =	ssyncset.done $0x0  }
0x152: {  	[sflag:s23] =	ssyncadd.s32 $0xFFFFFE00  }
0x153: {  	_ =	swait.ge [sflag:s23], $0x200  }
0x154: {  	[sflag:s23] =	ssyncset.done $0x0  }
0x155: {  	[sflag:s23] =	ssyncadd.s32 $0xFFFFFE00  }
0x156: {  	[tilespmem:s14], [sflag:$0x6] =	stream.indirect.gather [spmem:s3], $0x8, s7, s30, $0xb8;
	[tilespmem:$0x1E800] =	vst v63  }
0x157: {  	s22 =	simm.s32 $0x0  }
0x158: {  	v7 =	vor.u32 s22, v0;
	[tilespmem:s15], [sflag:$0x6] =	stream.indirect.gather [spmem:s3], $0x8, s8, s30, $0xb8;
	[tilespmem:$0x1E800] =	vst v63  }
0x159: {  	v5 =	vshll.u32 v7, $0x3;
	_ =	swait.ge [sflag:s16], $0x1000  }
0x15a: {  	v6 =	vor.u32 $0x1, v5;
	[sflag:s16] =	ssyncset.done $0x0  }
0x15b: {  	[sflag:s16] =	ssyncadd.s32 $0xFFFFF000  }
0x15c: {  	_ =	swait.ge [sflag:s16], $0x1000  }
0x15d: {  	[sflag:s16] =	ssyncset.done $0x0  }
0x15e: {  	[sflag:s16] =	ssyncadd.s32 $0xFFFFF000  }
0x15f: {  	v8 =	vld.idx.msk [tilespmem:v6+s12+$0x0], $0xffff  }
0x160: {  	v9 =	vld.idx.msk [tilespmem:v6+s11+$0x0], $0xffff  }
0x161: {  	v7 =	vand.u32 v3, v7;
	v10 =	vld.idx.msk [tilespmem:v5+s12+$0x0], $0xffff  }
0x162: {  	v11 =	vld.idx.msk [tilespmem:v5+s11+$0x0], $0xffff;
	_ =	sdelay $0x3  }
0x163: {  	v57 =	vld.idx.msk [tilespmem:v7+s1+$0x0], $0xffff  }
0x164: {  	v7 =	vld.idx.msk [tilespmem:v7+s0+$0x0], $0xffff;
	v10 =	vsub.f32 v10, v11;
	v8 =	vsub.f32 v8, v9;
	_ =	sdelay $0x1  }
0x165: {  	v9 =	vmul.f32 v10, v10;
	v11 =	vmul.f32 v8, v8;
	_ =	sdelay $0x1  }
0x166: {  	v9 =	vadd.f32 v11, v9  }
0x167: {  	vm15 =	veq.s32 v7, v57  }
0x168: {  	v58 =	vor.u32 $0x4, v5;
	v9 =	vsel vm15, $0x3F800000, v9  }
0x169: {  	v11 =	vor.u32 $0x6, v5;
	(erf) = vrcp.f32 v9  }
0x16a: {  	v59 =	vor.u32 $0x5, v5  }
0x16b: {  	v7 =	vor.u32 $0x3, v5  }
0x16c: {  	v9 =	vor.u32 $0x2, v5  }
0x16d: {  	v12 =	vld.idx.msk [tilespmem:v58+s11+$0x0], $0xffff  }
0x16e: {  	v11 =	vld.idx.msk [tilespmem:v11+s11+$0x0], $0xffff  }
0x16f: {  	v13 =	vld.idx.msk [tilespmem:v59+s11+$0x0], $0xffff  }
0x170: {  	v60 =	vld.idx.msk [tilespmem:v7+s12+$0x0], $0xffff  }
0x171: {  	v61 =	vld.idx.msk [tilespmem:v9+s11+$0x0], $0xffff  }
0x172: {  	v9 =	vld.idx.msk [tilespmem:v9+s12+$0x0], $0xffff;
	v62 =	vpop (erf)  }
0x173: {  	v7 =	vld.idx.msk [tilespmem:v7+s11+$0x0], $0xffff;
	v11 =	vmul.f32 v62, v11;
	_ =	sdelay $0x1  }
0x174: {  	v11 =	vsub.f32 v12, v11  }
0x175: {  	v63 =	vsel vm15, $0x0, v4  }
0x176: {  	v9 =	vsub.f32 v9, v61;
	v12 =	vmul.f32 v13, v63;
	v11 =	vmul.f32 v11, v63  }
0x177: {  	v7 =	vsub.f32 v60, v7  }
0x178: {  	s24 =	simm.s32 $0x10;
	v13 =	vmul.f32 v9, v12;
	v10 =	vmul.f32 v11, v10  }
0x179: {  	v9 =	vor.u32 s24, v0;
	v12 =	vmul.f32 v7, v12;
	v11 =	vmul.f32 v11, v8  }
0x17a: {  	v7 =	vshll.u32 v9, $0x3;
	v10 =	vadd.f32 v10, v13  }
0x17b: {  	s24 =	simm.s32 $0x20;
	v8 =	vor.u32 $0x1, v7;
	v11 =	vadd.f32 v11, v12  }
.LBB2_9:
0x17c: {  	p1 =	sne.s32 s24, $0x1F0;
	[tilespmem:v5+s28+$0x0] =	vst.idx.msk $0xffff, v10;
	v5 =	vmov v7  }
0x17d: {  	[tilespmem:v6+s28+$0x0] =	vst.idx.msk $0xffff, v11;
	v6 =	vmov v8  }
0x17e: {  	v10 =	vld.idx.msk [tilespmem:v8+s12+$0x0], $0xffff  }
0x17f: {  	v8 =	vld.idx.msk [tilespmem:v8+s11+$0x0], $0xffff  }
0x180: {  	v9 =	vand.u32 v3, v9;
	v7 =	vld.idx.msk [tilespmem:v7+s12+$0x0], $0xffff  }
0x181: {  	v11 =	vld.idx.msk [tilespmem:v5+s11+$0x0], $0xffff;
	_ =	sdelay $0x3  }
0x182: {  	v12 =	vld.idx.msk [tilespmem:v9+s1+$0x0], $0xffff  }
0x183: {  	v9 =	vld.idx.msk [tilespmem:v9+s0+$0x0], $0xffff  }
0x184: {  	v10 =	vsub.f32 v10, v8;
	v11 =	vsub.f32 v7, v11;
	_ =	sdelay $0x1  }
0x185: {  	v8 =	vmul.f32 v10, v10;
	v7 =	vmul.f32 v11, v11;
	_ =	sdelay $0x1  }
0x186: {  	v7 =	vadd.f32 v8, v7  }
0x187: {  	v8 =	vor.u32 $0x3, v5;
	vm0 =	veq.s32 v9, v12  }
0x188: {  	v9 =	vor.u32 $0x6, v5;
	v7 =	vsel vm0, $0x3F800000, v7  }
0x189: {  	v12 =	vor.u32 $0x2, v5;
	(erf) = vrcp.f32 v7  }
0x18a: {  	v7 =	vor.u32 $0x4, v5;
	_ =	sdelay $0x1  }
0x18b: {  	v13 =	vor.u32 $0x5, v5;
	v14 =	vld.idx.msk [tilespmem:v8+s12+$0x0], $0xffff  }
0x18c: {  	v9 =	vld.idx.msk [tilespmem:v9+s11+$0x0], $0xffff  }
0x18d: {  	v15 =	vld.idx.msk [tilespmem:v12+s11+$0x0], $0xffff  }
0x18e: {  	v7 =	vld.idx.msk [tilespmem:v7+s11+$0x0], $0xffff  }
0x18f: {  	v12 =	vld.idx.msk [tilespmem:v12+s12+$0x0], $0xffff  }
0x190: {  	v13 =	vld.idx.msk [tilespmem:v13+s11+$0x0], $0xffff  }
0x191: {  	v8 =	vld.idx.msk [tilespmem:v8+s11+$0x0], $0xffff;
	v16 =	vpop (erf)  }
0x192: {  	v9 =	vmul.f32 v16, v9;
	_ =	sdelay $0x1  }
0x193: {  	v7 =	vsub.f32 v7, v9  }
0x194: {  	v9 =	vsel vm0, $0x0, v4  }
0x195: {  	v12 =	vsub.f32 v12, v15;
	v13 =	vmul.f32 v13, v9;
	v16 =	vmul.f32 v7, v9  }
.Ltmp5:
0x196: {  	v9 =	vor.u32 s24, v0;
	v14 =	vsub.f32 v14, v8;
	(pc) =	sbr.rel @p1 .LBB2_9-.Ltmp5, $4  }
0x197: {  	v7 =	vshll.u32 v9, $0x3;
	v12 =	vmul.f32 v12, v13;
	v11 =	vmul.f32 v16, v11  }
0x198: {  	v8 =	vor.u32 $0x1, v7;
	v15 =	vmul.f32 v16, v10;
	v13 =	vmul.f32 v14, v13  }
0x199: {  	v10 =	vadd.f32 v11, v12  }
0x19a: {  	s24 =	sadd.s32 $0x10, s24;
	v11 =	vadd.f32 v15, v13  }
0x19b: {  	_ =	sdelay $0x3  }
0x19c: {  	[tilespmem:v5+s28+$0x0] =	vst.idx.msk $0xffff, v10  }
0x19d: {  	[tilespmem:v6+s28+$0x0] =	vst.idx.msk $0xffff, v11  }
0x19e: {  	v5 =	vld.idx.msk [tilespmem:v8+s12+$0x0], $0xffff  }
0x19f: {  	v6 =	vld.idx.msk [tilespmem:v8+s11+$0x0], $0xffff  }
0x1a0: {  	v9 =	vand.u32 v3, v9;
	v10 =	vld.idx.msk [tilespmem:v7+s12+$0x0], $0xffff  }
0x1a1: {  	v11 =	vld.idx.msk [tilespmem:v7+s11+$0x0], $0xffff;
	_ =	sdelay $0x3  }
0x1a2: {  	v12 =	vld.idx.msk [tilespmem:v9+s1+$0x0], $0xffff  }
0x1a3: {  	v9 =	vld.idx.msk [tilespmem:v9+s0+$0x0], $0xffff;
	v10 =	vsub.f32 v10, v11;
	v5 =	vsub.f32 v5, v6;
	_ =	sdelay $0x1  }
0x1a4: {  	v6 =	vmul.f32 v10, v10;
	v11 =	vmul.f32 v5, v5;
	_ =	sdelay $0x1  }
0x1a5: {  	v6 =	vadd.f32 v11, v6  }
0x1a6: {  	vm0 =	veq.s32 v9, v12  }
0x1a7: {  	v13 =	vor.u32 $0x5, v7;
	v6 =	vsel vm0, $0x3F800000, v6  }
0x1a8: {  	v11 =	vor.u32 $0x6, v7;
	(erf) = vrcp.f32 v6  }
0x1a9: {  	v55 =	vor.u32 $0x4, v7  }
0x1aa: {  	v9 =	vor.u32 $0x3, v7  }
0x1ab: {  	v6 =	vor.u32 $0x2, v7  }
0x1ac: {  	v13 =	vld.idx.msk [tilespmem:v13+s11+$0x0], $0xffff  }
0x1ad: {  	v11 =	vld.idx.msk [tilespmem:v11+s11+$0x0], $0xffff  }
0x1ae: {  	v12 =	vld.idx.msk [tilespmem:v55+s11+$0x0], $0xffff  }
0x1af: {  	v14 =	vld.idx.msk [tilespmem:v9+s12+$0x0], $0xffff  }
0x1b0: {  	v15 =	vld.idx.msk [tilespmem:v6+s11+$0x0], $0xffff  }
0x1b1: {  	v6 =	vld.idx.msk [tilespmem:v6+s12+$0x0], $0xffff;
	v16 =	vpop (erf)  }
0x1b2: {  	v9 =	vld.idx.msk [tilespmem:v9+s11+$0x0], $0xffff;
	v11 =	vmul.f32 v16, v11;
	_ =	sdelay $0x1  }
0x1b3: {  	v11 =	vsub.f32 v12, v11  }
0x1b4: {  	v56 =	vsel vm0, $0x0, v4  }
0x1b5: {  	v6 =	vsub.f32 v6, v15;
	v12 =	vmul.f32 v13, v56;
	v11 =	vmul.f32 v11, v56  }
0x1b6: {  	v9 =	vsub.f32 v14, v9  }
0x1b7: {  	v6 =	vmul.f32 v6, v12;
	v10 =	vmul.f32 v11, v10  }
0x1b8: {  	v9 =	vmul.f32 v9, v12;
	v5 =	vmul.f32 v11, v5  }
0x1b9: {  	v6 =	vadd.f32 v10, v6  }
0x1ba: {  	v5 =	vadd.f32 v5, v9  }
0x1bb: {  	[tilespmem:v7+s28+$0x0] =	vst.idx.msk $0xffff, v6  }
0x1bc: {  	[tilespmem:v8+s28+$0x0] =	vst.idx.msk $0xffff, v5  }
0x1bd: {  	[spmem:s2] =	stream.indirect.scatter.add.f32 [tilespmem:s28], [sflag:$0x7], $0x8, s0, s30, $0xb8;
	[tilespmem:$0x1E800] =	vst v63  }
0x1be: {  	s9 =	sadd.s32 @!p0 s25, s21;
	_ =	swait.ge [sflag:s26], $0x1000  }
0x1bf: {  	s22 =	simm.s32 @!p0 $0x0;
	s9 =	sshrl.u32 @!p0 s9, $0x3;
	[sflag:s26] =	ssyncset.done $0x0  }
0x1c0: {  	s24 =	simm.s32 @!p0 $0x400;
	s19 =	sadd.s32 @!p0 s5, s9;
	[sflag:s26] =	ssyncadd.s32 $0xFFFFF000  }
0x1c1: {  	[tilespmem:s24], [sflag:$0x3] =	stream.linear.gather @!p0 [hbm4b:s19+s22], $0x200, $0x38;
	[tilespmem:$0x1E800] =	vst v63  }
0x1c2: {  	s9 =	sadd.s32 @!p0 s6, s9;
	s19 =	simm.s32 @!p0 $0xC00  }
0x1c3: {  	[tilespmem:s19], [sflag:$0x3] =	stream.linear.gather @!p0 [hbm4b:s9+s22], $0x200, $0x38;
	[tilespmem:$0x1E800] =	vst v63  }
0x1c4: {  	s9 =	simm.s32 @!p0 $0x1  }
0x1c5: {  	_ =	swait.ge @!p0 [sflag:s9], $0x200  }
0x1c6: {  	[sflag:s9] =	ssyncset.done @!p0 $0x0  }
0x1c7: {  	[sflag:s9] =	ssyncadd.s32 @!p0 $0xFFFFFE00  }
0x1c8: {  	_ =	swait.ge @!p0 [sflag:s9], $0x200  }
0x1c9: {  	[sflag:s9] =	ssyncset.done @!p0 $0x0  }
0x1ca: {  	s19 =	simm.s32 @!p0 $0x1000;
	[sflag:s9] =	ssyncadd.s32 @!p0 $0xFFFFFE00;
	s9 =	simm.s32 @!p0 $0x200  }
0x1cb: {  	[tilespmem:s19], [sflag:$0x5] =	stream.indirect.gather @!p0 [spmem:s3], $0x8, s22, s9, $0xb8;
	[tilespmem:$0x1E800] =	vst v63  }
0x1cc: {  	s24 =	simm.s32 $0x0;
	s19 =	simm.s32 @!p0 $0x800;
	s22 =	simm.s32 @!p0 $0x3000  }
0x1cd: {  	v7 =	vor.u32 s24, v0;
	[tilespmem:s22], [sflag:$0x5] =	stream.indirect.gather @!p0 [spmem:s3], $0x8, s19, s9, $0xb8;
	[tilespmem:$0x1E800] =	vst v63  }
0x1ce: {  	v5 =	vshll.u32 v7, $0x3;
	_ =	swait.ge [sflag:s18], $0x1000  }
0x1cf: {  	v6 =	vor.u32 $0x1, v5;
	[sflag:s18] =	ssyncset.done $0x0  }
0x1d0: {  	[sflag:s18] =	ssyncadd.s32 $0xFFFFF000  }
0x1d1: {  	_ =	swait.ge [sflag:s18], $0x1000  }
0x1d2: {  	[sflag:s18] =	ssyncset.done $0x0  }
0x1d3: {  	[sflag:s18] =	ssyncadd.s32 $0xFFFFF000  }
0x1d4: {  	v8 =	vld.idx.msk [tilespmem:v6+s15+$0x0], $0xffff  }
0x1d5: {  	v9 =	vld.idx.msk [tilespmem:v6+s14+$0x0], $0xffff  }
0x1d6: {  	v7 =	vand.u32 v3, v7;
	v10 =	vld.idx.msk [tilespmem:v5+s15+$0x0], $0xffff  }
0x1d7: {  	v11 =	vld.idx.msk [tilespmem:v5+s14+$0x0], $0xffff;
	_ =	sdelay $0x3  }
0x1d8: {  	v57 =	vld.idx.msk [tilespmem:v7+s8+$0x0], $0xffff  }
0x1d9: {  	v7 =	vld.idx.msk [tilespmem:v7+s7+$0x0], $0xffff;
	v10 =	vsub.f32 v10, v11;
	v8 =	vsub.f32 v8, v9;
	_ =	sdelay $0x1  }
0x1da: {  	v9 =	vmul.f32 v10, v10;
	v11 =	vmul.f32 v8, v8;
	_ =	sdelay $0x1  }
0x1db: {  	v9 =	vadd.f32 v11, v9  }
0x1dc: {  	vm15 =	veq.s32 v7, v57  }
0x1dd: {  	v58 =	vor.u32 $0x4, v5;
	v9 =	vsel vm15, $0x3F800000, v9  }
0x1de: {  	v11 =	vor.u32 $0x6, v5;
	(erf) = vrcp.f32 v9  }
0x1df: {  	v59 =	vor.u32 $0x5, v5  }
0x1e0: {  	v7 =	vor.u32 $0x3, v5  }
0x1e1: {  	v9 =	vor.u32 $0x2, v5  }
0x1e2: {  	v12 =	vld.idx.msk [tilespmem:v58+s14+$0x0], $0xffff  }
0x1e3: {  	v11 =	vld.idx.msk [tilespmem:v11+s14+$0x0], $0xffff  }
0x1e4: {  	v13 =	vld.idx.msk [tilespmem:v59+s14+$0x0], $0xffff  }
0x1e5: {  	v60 =	vld.idx.msk [tilespmem:v7+s15+$0x0], $0xffff  }
0x1e6: {  	v61 =	vld.idx.msk [tilespmem:v9+s14+$0x0], $0xffff  }
0x1e7: {  	v9 =	vld.idx.msk [tilespmem:v9+s15+$0x0], $0xffff;
	v62 =	vpop (erf)  }
0x1e8: {  	v7 =	vld.idx.msk [tilespmem:v7+s14+$0x0], $0xffff;
	v11 =	vmul.f32 v62, v11;
	_ =	sdelay $0x1  }
0x1e9: {  	v11 =	vsub.f32 v12, v11  }
0x1ea: {  	v63 =	vsel vm15, $0x0, v4  }
0x1eb: {  	v9 =	vsub.f32 v9, v61;
	v12 =	vmul.f32 v13, v63;
	v11 =	vmul.f32 v11, v63  }
0x1ec: {  	v7 =	vsub.f32 v60, v7  }
0x1ed: {  	s24 =	simm.s32 $0x10;
	v13 =	vmul.f32 v9, v12;
	v10 =	vmul.f32 v11, v10  }
0x1ee: {  	v9 =	vor.u32 s24, v0;
	v12 =	vmul.f32 v7, v12;
	v11 =	vmul.f32 v11, v8  }
0x1ef: {  	v7 =	vshll.u32 v9, $0x3;
	v10 =	vadd.f32 v10, v13  }
0x1f0: {  	s24 =	simm.s32 $0x20;
	v8 =	vor.u32 $0x1, v7;
	v11 =	vadd.f32 v11, v12  }
.LBB2_11:
0x1f1: {  	p1 =	sne.s32 s24, $0x1F0;
	[tilespmem:v5+s28+$0x0] =	vst.idx.msk $0xffff, v10;
	v5 =	vmov v7  }
0x1f2: {  	[tilespmem:v6+s28+$0x0] =	vst.idx.msk $0xffff, v11;
	v6 =	vmov v8  }
0x1f3: {  	v10 =	vld.idx.msk [tilespmem:v8+s15+$0x0], $0xffff  }
0x1f4: {  	v8 =	vld.idx.msk [tilespmem:v8+s14+$0x0], $0xffff  }
0x1f5: {  	v9 =	vand.u32 v3, v9;
	v7 =	vld.idx.msk [tilespmem:v7+s15+$0x0], $0xffff  }
0x1f6: {  	v11 =	vld.idx.msk [tilespmem:v5+s14+$0x0], $0xffff;
	_ =	sdelay $0x3  }
0x1f7: {  	v12 =	vld.idx.msk [tilespmem:v9+s8+$0x0], $0xffff  }
0x1f8: {  	v9 =	vld.idx.msk [tilespmem:v9+s7+$0x0], $0xffff  }
0x1f9: {  	v10 =	vsub.f32 v10, v8;
	v11 =	vsub.f32 v7, v11;
	_ =	sdelay $0x1  }
0x1fa: {  	v8 =	vmul.f32 v10, v10;
	v7 =	vmul.f32 v11, v11;
	_ =	sdelay $0x1  }
0x1fb: {  	v7 =	vadd.f32 v8, v7  }
0x1fc: {  	v8 =	vor.u32 $0x3, v5;
	vm0 =	veq.s32 v9, v12  }
0x1fd: {  	v9 =	vor.u32 $0x6, v5;
	v7 =	vsel vm0, $0x3F800000, v7  }
0x1fe: {  	v12 =	vor.u32 $0x2, v5;
	(erf) = vrcp.f32 v7  }
0x1ff: {  	v7 =	vor.u32 $0x4, v5;
	_ =	sdelay $0x1  }
0x200: {  	v13 =	vor.u32 $0x5, v5;
	v14 =	vld.idx.msk [tilespmem:v8+s15+$0x0], $0xffff  }
0x201: {  	v9 =	vld.idx.msk [tilespmem:v9+s14+$0x0], $0xffff  }
0x202: {  	v15 =	vld.idx.msk [tilespmem:v12+s14+$0x0], $0xffff  }
0x203: {  	v7 =	vld.idx.msk [tilespmem:v7+s14+$0x0], $0xffff  }
0x204: {  	v12 =	vld.idx.msk [tilespmem:v12+s15+$0x0], $0xffff  }
0x205: {  	v13 =	vld.idx.msk [tilespmem:v13+s14+$0x0], $0xffff  }
0x206: {  	v8 =	vld.idx.msk [tilespmem:v8+s14+$0x0], $0xffff;
	v16 =	vpop (erf)  }
0x207: {  	v9 =	vmul.f32 v16, v9;
	_ =	sdelay $0x1  }
0x208: {  	v7 =	vsub.f32 v7, v9  }
0x209: {  	v9 =	vsel vm0, $0x0, v4  }
0x20a: {  	v12 =	vsub.f32 v12, v15;
	v13 =	vmul.f32 v13, v9;
	v16 =	vmul.f32 v7, v9  }
.Ltmp6:
0x20b: {  	v9 =	vor.u32 s24, v0;
	v14 =	vsub.f32 v14, v8;
	(pc) =	sbr.rel @p1 .LBB2_11-.Ltmp6, $4  }
0x20c: {  	v7 =	vshll.u32 v9, $0x3;
	v12 =	vmul.f32 v12, v13;
	v11 =	vmul.f32 v16, v11  }
0x20d: {  	v8 =	vor.u32 $0x1, v7;
	v15 =	vmul.f32 v16, v10;
	v13 =	vmul.f32 v14, v13  }
0x20e: {  	v10 =	vadd.f32 v11, v12  }
0x20f: {  	s24 =	sadd.s32 $0x10, s24;
	v11 =	vadd.f32 v15, v13  }
0x210: {  	_ =	sdelay $0x3  }
0x211: {  	[tilespmem:v5+s28+$0x0] =	vst.idx.msk $0xffff, v10  }
0x212: {  	[tilespmem:v6+s28+$0x0] =	vst.idx.msk $0xffff, v11  }
0x213: {  	v5 =	vld.idx.msk [tilespmem:v8+s15+$0x0], $0xffff  }
0x214: {  	v6 =	vld.idx.msk [tilespmem:v8+s14+$0x0], $0xffff  }
0x215: {  	v9 =	vand.u32 v3, v9;
	v10 =	vld.idx.msk [tilespmem:v7+s15+$0x0], $0xffff  }
0x216: {  	v11 =	vld.idx.msk [tilespmem:v7+s14+$0x0], $0xffff;
	_ =	sdelay $0x3  }
0x217: {  	v12 =	vld.idx.msk [tilespmem:v9+s8+$0x0], $0xffff  }
0x218: {  	v9 =	vld.idx.msk [tilespmem:v9+s7+$0x0], $0xffff;
	v10 =	vsub.f32 v10, v11;
	v5 =	vsub.f32 v5, v6;
	_ =	sdelay $0x1  }
0x219: {  	v6 =	vmul.f32 v10, v10;
	v59 =	vmul.f32 v5, v5;
	_ =	sdelay $0x1  }
0x21a: {  	v6 =	vadd.f32 v59, v6  }
0x21b: {  	vm0 =	veq.s32 v9, v12  }
0x21c: {  	v60 =	vor.u32 $0x3, v7;
	v6 =	vsel vm0, $0x3F800000, v6  }
0x21d: {  	v61 =	vor.u32 $0x6, v7;
	(erf) = vrcp.f32 v6  }
0x21e: {  	v13 =	vor.u32 $0x5, v7  }
0x21f: {  	v62 =	vor.u32 $0x4, v7  }
0x220: {  	v6 =	vor.u32 $0x2, v7  }
0x221: {  	v14 =	vld.idx.msk [tilespmem:v60+s15+$0x0], $0xffff  }
0x222: {  	v11 =	vld.idx.msk [tilespmem:v61+s14+$0x0], $0xffff  }
0x223: {  	v13 =	vld.idx.msk [tilespmem:v13+s14+$0x0], $0xffff  }
0x224: {  	v12 =	vld.idx.msk [tilespmem:v62+s14+$0x0], $0xffff  }
0x225: {  	v15 =	vld.idx.msk [tilespmem:v6+s14+$0x0], $0xffff  }
0x226: {  	v6 =	vld.idx.msk [tilespmem:v6+s15+$0x0], $0xffff;
	v16 =	vpop (erf)  }
0x227: {  	v9 =	vld.idx.msk [tilespmem:v60+s14+$0x0], $0xffff;
	v11 =	vmul.f32 v16, v11;
	_ =	sdelay $0x1  }
0x228: {  	v11 =	vsub.f32 v12, v11  }
0x229: {  	v63 =	vsel vm0, $0x0, v4  }
0x22a: {  	v6 =	vsub.f32 v6, v15;
	v12 =	vmul.f32 v13, v63;
	v11 =	vmul.f32 v11, v63  }
0x22b: {  	v9 =	vsub.f32 v14, v9  }
0x22c: {  	v6 =	vmul.f32 v6, v12;
	v10 =	vmul.f32 v11, v10  }
0x22d: {  	v9 =	vmul.f32 v9, v12;
	v5 =	vmul.f32 v11, v5  }
0x22e: {  	v6 =	vadd.f32 v10, v6  }
0x22f: {  	v5 =	vadd.f32 v5, v9  }
0x230: {  	[tilespmem:v7+s28+$0x0] =	vst.idx.msk $0xffff, v6  }
.Ltmp7:
0x231: {  	[tilespmem:v8+s28+$0x0] =	vst.idx.msk $0xffff, v5;
	(pc) =	sbr.rel @p0 .LBB2_14-.Ltmp7, $4  }
0x232: {  	[spmem:s2] =	stream.indirect.scatter.add.f32 [tilespmem:s28], [sflag:$0x7], $0x8, s7, s30, $0xb8;
	[tilespmem:$0x1E800] =	vst v63  }
0x233: {  	_ =	swait.ge [sflag:s26], $0x1000  }
0x234: {  	[sflag:s26] =	ssyncset.done $0x0  }
0x235: {  	[sflag:s26] =	ssyncadd.s32 $0xFFFFF000  }
0x236: {  	s9 =	rddreg [dreg:$0x11]  }
0x237: {  	s9 =	sadd.s32 s25, s9  }
0x238: {  	s9 =	sshrl.u32 s9, $0x3  }
0x239: {  	s19 =	sadd.s32 s5, s9  }
0x23a: {  	[tilespmem:s7], [sflag:$0x4] =	stream.linear.gather [hbm4b:s19+s4], $0x200, $0x38;
	[tilespmem:$0x1E800] =	vst v63  }
0x23b: {  	s9 =	sadd.s32 s6, s9  }
0x23c: {  	[tilespmem:s8], [sflag:$0x4] =	stream.linear.gather [hbm4b:s9+s4], $0x200, $0x38;
	[tilespmem:$0x1E800] =	vst v63  }
0x23d: {  	_ =	swait.ge [sflag:s13], $0x200  }
0x23e: {  	[sflag:s13] =	ssyncset.done $0x0  }
0x23f: {  	[sflag:s13] =	ssyncadd.s32 $0xFFFFFE00  }
0x240: {  	_ =	swait.ge [sflag:s13], $0x200  }
.Ltmp8:
0x241: {  	[sflag:s13] =	ssyncset.done $0x0;
	(pc) =	sbr.rel .LBB2_4-.Ltmp8, $4  }
0x242: {  	[sflag:s13] =	ssyncadd.s32 $0xFFFFFE00  }
0x243: {  	[tilespmem:s14], [sflag:$0x6] =	stream.indirect.gather [spmem:s3], $0x8, s30, s30, $0xb8;
	[tilespmem:$0x1E800] =	vst v63  }
0x244: {  	s10 =	sadd.s32 $0x1, s10  }
0x245: {  	[tilespmem:s15], [sflag:$0x6] =	stream.indirect.gather [spmem:s3], $0x8, s31, s30, $0xb8;
	[tilespmem:$0x1E800] =	vst v63  }
.LBB2_15:
0x246: {  	_ =	sfence.sel $0x180000  }
0x247: {  	[bflag:$0x0] =	sbarrier.arrive $0xFFFF  }
0x248: {  	_ =	strace $0x9000004A  }
0x249: {  	s0 =	stileid.u32;
	[bflag:$0x2] =	sbarrier.arrive $0xFFFF  }
0x24a: {  	p0 =	sne.s32 s0, $0x0;
	s0 =	rddreg [dreg:$0x3]  }
0x24b: {  	s0 =	sadd.s32 @!p0 $0x100000, s0  }
0x24c: {  	[sflag:s0] =	ssyncadd.tile.s32 @!p0 $0x1;
	_ =	shalt  }
.Lfunc_end2:
_tile_overlayer_lowered:
.L_overlay_start_2:
0x24d: {  	(tag) =	ssettag $0x2  }
0x24e: {  	s0 =	rddreg [dreg:$0x0];
	s2 =	stileid.u32  }
0x24f: {  	s1 =	rddreg [dreg:$0x1];
	p0 =	sne.s32 s2, $0x0  }
0x250: {  	s3 =	rddreg [dreg:$0x2];
	[bflag:$0x3] =	sbarrier.arrive $0xFFFF;
	s2 =	simm.s32 @!p0 $0x1C07  }
0x251: {  	[timem:s3], [sflag:s2] =	dma.local @!p0 [hbm:s0], s1  }
0x252: {  	s0 =	simm.s32 @!p0 $0x7  }
0x253: {  	_ =	swait.ge @!p0 [sflag:s0], s1  }
0x254: {  	s1 =	ssub.s32 @!p0 $0x0, s1;
	[sflag:s0] =	ssyncset.done @!p0 $0x0  }
0x255: {  	[sflag:s0] =	ssyncadd.s32 @!p0 s1  }
0x256: {  	[bflag:$0x3] =	sbarrier.arrive $0xFFFF  }
0x257: {  	_ =	shalt  }

</sc_bundles>
